<compile_context>
chip_gen: v7x
topology: tpu7x:2x2x1
jax: 0.10.2.dev20260603
libtpu: 0.0.44.dev20260713+nightly
codegen_flags: <defaults>
</compile_context>

<pallas_src>
import numpy as np
import jax
import jax.numpy as jnp
from jax import lax
from jax.experimental import pallas as pl
from jax.experimental.pallas import tpu as pltpu
from jax.experimental.pallas import tpu_sc as plsc

N = 10000
D = 128
B = 256
G = 128
H = 128

NC = 2
NS = 16
NW = NC * NS
ROWS_W = 320
LAST_ROWS = N - (NW - 1) * ROWS_W
NPAD = NW * ROWS_W
ACC_ROWS = 272
HR, HC = 20, 512


def _seg_kernel_body(x_hbm, ids_hbm, zeros_hbm, sums_hbm,
                     rows_v, idsA, idsB, acc_sh, sem_rows, sem_ids, sem_zero):
    c = lax.axis_index("c")
    s = lax.axis_index("s")
    w = c * NS + s
    base = w * ROWS_W

    @pl.when(w < NW - 1)
    def _():
        pltpu.async_copy(x_hbm.at[pl.ds(base, ROWS_W)],
                         rows_v.at[pl.ds(0, ROWS_W)], sem_rows)

    @pl.when(w == NW - 1)
    def _():
        pltpu.async_copy(x_hbm.at[pl.ds(base, LAST_ROWS)],
                         rows_v.at[pl.ds(0, LAST_ROWS)], sem_rows)

    pltpu.async_copy(ids_hbm.at[pl.ds(base, 128)], idsA.at[0], sem_ids)
    pltpu.async_copy(ids_hbm.at[pl.ds(base + 128, 128)], idsA.at[1], sem_ids)
    pltpu.async_copy(ids_hbm.at[pl.ds(base + 256, 64)], idsB, sem_ids)
    pltpu.async_copy(zeros_hbm, acc_sh.at[pl.ds(s * 16, 16)], sem_zero)

    pltpu.make_async_copy(ids_hbm.at[pl.ds(base, 128)], idsA.at[0],
                          sem_ids).wait()
    pltpu.make_async_copy(ids_hbm.at[pl.ds(base + 128, 128)], idsA.at[1],
                          sem_ids).wait()
    pltpu.make_async_copy(ids_hbm.at[pl.ds(base + 256, 64)], idsB,
                          sem_ids).wait()
    pltpu.make_async_copy(zeros_hbm, acc_sh.at[pl.ds(s * 16, 16)],
                          sem_zero).wait()

    plsc.subcore_barrier()

    @pl.when(w < NW - 1)
    def _():
        pltpu.make_async_copy(x_hbm.at[pl.ds(base, ROWS_W)],
                              rows_v.at[pl.ds(0, ROWS_W)], sem_rows).wait()

    @pl.when(w == NW - 1)
    def _():
        pltpu.make_async_copy(x_hbm.at[pl.ds(base, LAST_ROWS)],
                              rows_v.at[pl.ds(0, LAST_ROWS)], sem_rows).wait()

    pltpu.sync_copy(rows_v.at[pl.ds(0, 128)], acc_sh.at[idsA.at[0]], add=True)
    pltpu.sync_copy(rows_v.at[pl.ds(128, 128)], acc_sh.at[idsA.at[1]],
                    add=True)
    pltpu.sync_copy(rows_v.at[pl.ds(256, 64)], acc_sh.at[idsB], add=True)

    plsc.subcore_barrier()

    @pl.when(s == 0)
    def _():
        pltpu.sync_copy(acc_sh.at[pl.ds(0, B)], sums_hbm.at[c])


_seg_reduce = pl.kernel(
    _seg_kernel_body,
    out_type=jax.ShapeDtypeStruct((NC, B, D), jnp.float32),
    mesh=plsc.VectorSubcoreMesh(core_axis_name="c", subcore_axis_name="s"),
    scratch_types=[
        pltpu.VMEM((ROWS_W, D), jnp.float32),
        pltpu.VMEM((2, 128), jnp.int32),
        pltpu.VMEM((64,), jnp.int32),
        pltpu.VMEM_SHARED((ACC_ROWS, D), jnp.float32),
        pltpu.SemaphoreType.DMA,
        pltpu.SemaphoreType.DMA,
        pltpu.SemaphoreType.DMA,
    ],
)


def _hist_body(ids_ref, cnt_ref):
    segs = lax.broadcasted_iota(jnp.int32, (B, 1), 0)
    ids = ids_ref[...].reshape(HR, HC)

    acc = jnp.zeros((B, HC), jnp.float32)
    for r in range(HR):
        row = ids[r:r + 1, :]
        acc = acc + (row == segs).astype(jnp.float32)
    a = (acc[:, 0:128] + acc[:, 128:256]
         + acc[:, 256:384] + acc[:, 384:512])
    cnt_ref[...] = jnp.sum(a, axis=1, keepdims=True)


def _hist(ids_flat):
    return pl.pallas_call(
        _hist_body,
        out_shape=jax.ShapeDtypeStruct((B, 1), jnp.float32),
    )(ids_flat)


def _mlp_body(sums_ref, cnt_ref, u_ref, W1_ref, b1_ref, W2_ref, b2_ref,
              out_ref):
    seg = sums_ref[0] + sums_ref[1]
    cnt = cnt_ref[...]
    mean = seg / jnp.maximum(cnt, 1.0)
    u = u_ref[...]
    h = (lax.dot_general(u, W1_ref[0:G, :], (((1,), (0,)), ((), ())),
                         preferred_element_type=jnp.float32)
         + lax.dot_general(mean, W1_ref[G:G + D, :], (((1,), (0,)), ((), ())),
                           preferred_element_type=jnp.float32)
         + b1_ref[...])
    h = jnp.maximum(h, 0.0)
    out_ref[...] = (lax.dot_general(h, W2_ref[...], (((1,), (0,)), ((), ())),
                                    preferred_element_type=jnp.float32)
                    + b2_ref[...] + u)


def _mlp(sums, cnt, u, W1, b1, W2, b2):
    return pl.pallas_call(
        _mlp_body,
        out_shape=jax.ShapeDtypeStruct((B, G), jnp.float32),
    )(sums, cnt, u, W1, b1.reshape(1, H), W2, b2.reshape(1, G))


_PAD_IDS = np.asarray(B + (np.arange(NPAD - N) & 15), dtype=np.int32)
_ZEROS16 = np.zeros((16, D), dtype=np.float32)


@jax.jit
def kernel(x, edge_index, edge_attr, u, batch, W1, b1, W2, b2):
    ids_flat = jnp.concatenate([batch.astype(jnp.int32), _PAD_IDS])
    cnt = _hist(ids_flat)
    sums = _seg_reduce(x, ids_flat, _ZEROS16)
    return _mlp(sums, cnt, u, W1, b1, W2, b2)

# --- scband reference (transcript-rebuilt; emitter-appended) ---
"""Pipeline reference for scband-global-model-88072599372050 (READ-ONLY COPY).

The authoritative reference and input builder live on the scoring server;
editing this copy changes nothing except your own understanding.
"""

import jax, jax.numpy as jnp
import numpy as np

N = 10000
E = 320000
D = 128
DE = 4
B = 256
G = 128
H = 128


def setup_inputs(seed: int = 0) -> dict:
    key = jax.random.key(seed)
    ks = jax.random.split(key, 9)
    x = jax.random.normal(ks[0], (N, D), dtype=jnp.float32)
    edge_index = jax.random.randint(ks[1], (2, E), 0, N, dtype=jnp.int64)
    edge_attr = jax.random.normal(ks[2], (E, DE), dtype=jnp.float32)
    u = jax.random.normal(ks[3], (B, G), dtype=jnp.float32)
    batch = jnp.sort(jax.random.randint(ks[4], (N,), 0, B, dtype=jnp.int64))
    W1 = jax.random.normal(ks[5], (D + G, H), dtype=jnp.float32) * 0.05
    b1 = jnp.zeros((H,), dtype=jnp.float32)
    W2 = jax.random.normal(ks[6], (H, G), dtype=jnp.float32) * 0.05
    b2 = jnp.zeros((G,), dtype=jnp.float32)
    return {"x": x, "edge_index": edge_index, "edge_attr": edge_attr, "u": u,
            "batch": batch, "W1": W1, "b1": b1, "W2": W2, "b2": b2}


def reference(x, edge_index, edge_attr, u, batch, W1, b1, W2, b2):
    num_segments = u.shape[0]
    # scatter_mean(x, batch, dim=0): segment sum divided by counts (clamped at 1)
    seg_sum = jax.ops.segment_sum(x, batch, num_segments=num_segments)
    counts = jax.ops.segment_sum(jnp.ones((x.shape[0],), dtype=x.dtype), batch,
                                 num_segments=num_segments)
    seg_mean = seg_sum / jnp.clip(counts, 1.0, None)[:, None]
    out = jnp.concatenate([u, seg_mean], axis=1)
    h = jax.nn.relu(out @ W1 + b1)
    out = h @ W2 + b2
    # residuals=True
    out = out + u
    return out

if __name__ == "__main__":
    import jax
    _d = setup_inputs()
    print(jax.jit(kernel)(*tuple(_d.values())))

</pallas_src>

<mosaic_0001>
#map = affine_map<(d0, d1) -> (0, 0)>
#map1 = affine_map<(d0, d1) -> (0)>
#map2 = affine_map<(d0, d1) -> (0, 0, 0)>
module attributes {stable_mosaic.version = 14 : i64} {
  func.func @_seg_kernel_body(%arg0: i32, %arg1: i32, %arg2: memref<10000x128xf32, #tpu.memory_space<hbm>>, %arg3: memref<10240xi32, #tpu.memory_space<hbm>>, %arg4: memref<16x128xf32, #tpu.memory_space<hbm>>, %arg5: memref<2x256x128xf32, #tpu.memory_space<hbm>>, %arg6: memref<320x128xf32, #tpu.memory_space<vmem>>, %arg7: memref<2x128xi32, #tpu.memory_space<vmem>>, %arg8: memref<64xi32, #tpu.memory_space<vmem>>, %arg9: memref<272x128xf32, #tpu.memory_space<vmem_shared>>, %arg10: memref<!tpu.dma_semaphore, #tpu.memory_space<semaphore_mem>>, %arg11: memref<!tpu.dma_semaphore, #tpu.memory_space<semaphore_mem>>, %arg12: memref<!tpu.dma_semaphore, #tpu.memory_space<semaphore_mem>>) attributes {dimension_semantics = [#tpu.dimension_semantics<core_parallel>, #tpu.dimension_semantics<subcore_parallel>], iteration_bounds = array<i64: 2, 16>, scalar_prefetch = 0 : i64, scratch_operands = 7 : i64, tpu.core_type = #tpu.core_type<sc_vector_subcore>, window_params = [{transform_indices = #map}, {transform_indices = #map1}, {transform_indices = #map}, {transform_indices = #map2}]} {
    %mul3A = arith.constant 16 : i32
    %mul3A_0 = arith.muli %arg0, %mul3A : i32
    %add3A = arith.addi %mul3A_0, %arg1 : i32
    %mul3A_1 = arith.constant 320 : i32
    %mul3A_2 = arith.muli %add3A, %mul3A_1 : i32
    %lt3A = arith.constant 31 : i32
    %lt3A_3 = arith.cmpi slt, %add3A, %lt3A : i32
    %convert_element_type3A = arith.extui %lt3A_3 : i1 to i32
    %cond3A = arith.constant 0 : i32
    %cond3A_4 = arith.cmpi ne, %convert_element_type3A, %cond3A : i32
    scf.if %cond3A_4 {
      %dma_start3A_80 = arith.constant 0 : i32
      %dma_start3A_81 = arith.constant 0 : i32
      %dma_start3A_82 = tpu.memref_slice %arg6[%dma_start3A_80, %dma_start3A_81] : memref<320x128xf32, #tpu.memory_space<vmem>> -> memref<320x128xf32, #tpu.memory_space<vmem>>
      %dma_start3A_83 = arith.constant 0 : i32
      %dma_start3A_84 = tpu.memref_slice %arg2[%mul3A_2, %dma_start3A_83] : memref<10000x128xf32, #tpu.memory_space<hbm>> -> memref<320x128xf32, #tpu.memory_space<hbm>>
      %dma_start3A_85 = arith.constant 0 : i32
      %dma_start3A_86 = arith.constant 0 : i32
      %dma_start3A_87 = tpu.memref_slice %arg6[%dma_start3A_85, %dma_start3A_86] : memref<320x128xf32, #tpu.memory_space<vmem>> -> memref<320x128xf32, #tpu.memory_space<vmem>>
      %dma_start3A_88 = arith.constant 0 : i32
      %dma_start3A_89 = tpu.memref_slice %arg2[%mul3A_2, %dma_start3A_88] : memref<10000x128xf32, #tpu.memory_space<hbm>> -> memref<320x128xf32, #tpu.memory_space<hbm>>
      tpu.enqueue_dma source(%dma_start3A_89 : memref<320x128xf32, #tpu.memory_space<hbm>>) target(%dma_start3A_87 : memref<320x128xf32, #tpu.memory_space<vmem>>) target_semaphore(%arg10 : memref<!tpu.dma_semaphore, #tpu.memory_space<semaphore_mem>>)
    } else {
    }
    %eq3A = arith.constant 31 : i32
    %eq3A_5 = arith.cmpi eq, %add3A, %eq3A : i32
    %convert_element_type3A_6 = arith.extui %eq3A_5 : i1 to i32
    %cond3A_7 = arith.constant 0 : i32
    %cond3A_8 = arith.cmpi ne, %convert_element_type3A_6, %cond3A_7 : i32
    scf.if %cond3A_8 {
      %dma_start3A_80 = arith.constant 0 : i32
      %dma_start3A_81 = arith.constant 0 : i32
      %dma_start3A_82 = tpu.memref_slice %arg6[%dma_start3A_80, %dma_start3A_81] : memref<320x128xf32, #tpu.memory_space<vmem>> -> memref<80x128xf32, #tpu.memory_space<vmem>>
      %dma_start3A_83 = arith.constant 0 : i32
      %dma_start3A_84 = tpu.memref_slice %arg2[%mul3A_2, %dma_start3A_83] : memref<10000x128xf32, #tpu.memory_space<hbm>> -> memref<80x128xf32, #tpu.memory_space<hbm>>
      %dma_start3A_85 = arith.constant 0 : i32
      %dma_start3A_86 = arith.constant 0 : i32
      %dma_start3A_87 = tpu.memref_slice %arg6[%dma_start3A_85, %dma_start3A_86] : memref<320x128xf32, #tpu.memory_space<vmem>> -> memref<80x128xf32, #tpu.memory_space<vmem>>
      %dma_start3A_88 = arith.constant 0 : i32
      %dma_start3A_89 = tpu.memref_slice %arg2[%mul3A_2, %dma_start3A_88] : memref<10000x128xf32, #tpu.memory_space<hbm>> -> memref<80x128xf32, #tpu.memory_space<hbm>>
      tpu.enqueue_dma source(%dma_start3A_89 : memref<80x128xf32, #tpu.memory_space<hbm>>) target(%dma_start3A_87 : memref<80x128xf32, #tpu.memory_space<vmem>>) target_semaphore(%arg10 : memref<!tpu.dma_semaphore, #tpu.memory_space<semaphore_mem>>)
    } else {
    }
    %dma_start3A = arith.constant 0 : i32
    %dma_start3A_9 = arith.constant 0 : i32
    %dma_start3A_10 = tpu.memref_slice %arg7[%dma_start3A, %dma_start3A_9] : memref<2x128xi32, #tpu.memory_space<vmem>> -> memref<1x128xi32, #tpu.memory_space<vmem>>
    %dma_start3A_11 = tpu.memref_squeeze %dma_start3A_10 : memref<1x128xi32, #tpu.memory_space<vmem>> -> memref<128xi32, #tpu.memory_space<vmem>>
    %dma_start3A_12 = tpu.memref_slice %arg3[%mul3A_2] : memref<10240xi32, #tpu.memory_space<hbm>> -> memref<128xi32, #tpu.memory_space<hbm>>
    %dma_start3A_13 = arith.constant 0 : i32
    %dma_start3A_14 = tpu.memref_slice %arg7[%dma_start3A, %dma_start3A_13] : memref<2x128xi32, #tpu.memory_space<vmem>> -> memref<1x128xi32, #tpu.memory_space<vmem>>
    %dma_start3A_15 = tpu.memref_squeeze %dma_start3A_14 : memref<1x128xi32, #tpu.memory_space<vmem>> -> memref<128xi32, #tpu.memory_space<vmem>>
    %dma_start3A_16 = tpu.memref_slice %arg3[%mul3A_2] : memref<10240xi32, #tpu.memory_space<hbm>> -> memref<128xi32, #tpu.memory_space<hbm>>
    tpu.enqueue_dma source(%dma_start3A_16 : memref<128xi32, #tpu.memory_space<hbm>>) target(%dma_start3A_15 : memref<128xi32, #tpu.memory_space<vmem>>) target_semaphore(%arg11 : memref<!tpu.dma_semaphore, #tpu.memory_space<semaphore_mem>>)
    %add3A_17 = arith.constant 128 : i32
    %add3A_18 = arith.addi %mul3A_2, %add3A_17 : i32
    %dma_start3A_19 = arith.constant 1 : i32
    %dma_start3A_20 = arith.constant 0 : i32
    %dma_start3A_21 = tpu.memref_slice %arg7[%dma_start3A_19, %dma_start3A_20] : memref<2x128xi32, #tpu.memory_space<vmem>> -> memref<1x128xi32, #tpu.memory_space<vmem>>
    %dma_start3A_22 = tpu.memref_squeeze %dma_start3A_21 : memref<1x128xi32, #tpu.memory_space<vmem>> -> memref<128xi32, #tpu.memory_space<vmem>>
    %dma_start3A_23 = tpu.memref_slice %arg3[%add3A_18] : memref<10240xi32, #tpu.memory_space<hbm>> -> memref<128xi32, #tpu.memory_space<hbm>>
    %dma_start3A_24 = arith.constant 0 : i32
    %dma_start3A_25 = tpu.memref_slice %arg7[%dma_start3A_19, %dma_start3A_24] : memref<2x128xi32, #tpu.memory_space<vmem>> -> memref<1x128xi32, #tpu.memory_space<vmem>>
    %dma_start3A_26 = tpu.memref_squeeze %dma_start3A_25 : memref<1x128xi32, #tpu.memory_space<vmem>> -> memref<128xi32, #tpu.memory_space<vmem>>
    %dma_start3A_27 = tpu.memref_slice %arg3[%add3A_18] : memref<10240xi32, #tpu.memory_space<hbm>> -> memref<128xi32, #tpu.memory_space<hbm>>
    tpu.enqueue_dma source(%dma_start3A_27 : memref<128xi32, #tpu.memory_space<hbm>>) target(%dma_start3A_26 : memref<128xi32, #tpu.memory_space<vmem>>) target_semaphore(%arg11 : memref<!tpu.dma_semaphore, #tpu.memory_space<semaphore_mem>>)
    %add3A_28 = arith.constant 256 : i32
    %add3A_29 = arith.addi %mul3A_2, %add3A_28 : i32
    %dma_start3A_30 = tpu.memref_slice %arg3[%add3A_29] : memref<10240xi32, #tpu.memory_space<hbm>> -> memref<64xi32, #tpu.memory_space<hbm>>
    %dma_start3A_31 = tpu.memref_slice %arg3[%add3A_29] : memref<10240xi32, #tpu.memory_space<hbm>> -> memref<64xi32, #tpu.memory_space<hbm>>
    tpu.enqueue_dma source(%dma_start3A_31 : memref<64xi32, #tpu.memory_space<hbm>>) target(%arg8 : memref<64xi32, #tpu.memory_space<vmem>>) target_semaphore(%arg11 : memref<!tpu.dma_semaphore, #tpu.memory_space<semaphore_mem>>)
    %mul3A_32 = arith.constant 16 : i32
    %mul3A_33 = arith.muli %arg1, %mul3A_32 : i32
    %dma_start3A_34 = arith.constant 0 : i32
    %dma_start3A_35 = tpu.memref_slice %arg9[%mul3A_33, %dma_start3A_34] : memref<272x128xf32, #tpu.memory_space<vmem_shared>> -> memref<16x128xf32, #tpu.memory_space<vmem_shared>>
    tpu.enqueue_dma source(%arg4 : memref<16x128xf32, #tpu.memory_space<hbm>>) target(%dma_start3A_35 : memref<16x128xf32, #tpu.memory_space<vmem_shared>>) target_semaphore(%arg12 : memref<!tpu.dma_semaphore, #tpu.memory_space<semaphore_mem>>)
    %dma_wait3A = arith.constant 0 : i32
    %dma_wait3A_36 = arith.constant 0 : i32
    %dma_wait3A_37 = tpu.memref_slice %arg7[%dma_wait3A, %dma_wait3A_36] : memref<2x128xi32, #tpu.memory_space<vmem>> -> memref<1x128xi32, #tpu.memory_space<vmem>>
    %dma_wait3A_38 = tpu.memref_squeeze %dma_wait3A_37 : memref<1x128xi32, #tpu.memory_space<vmem>> -> memref<128xi32, #tpu.memory_space<vmem>>
    %dma_wait3A_39 = tpu.memref_slice %arg3[%mul3A_2] : memref<10240xi32, #tpu.memory_space<hbm>> -> memref<128xi32, #tpu.memory_space<hbm>>
    %dma_wait3A_40 = arith.constant 0 : i32
    %dma_wait3A_41 = tpu.memref_slice %arg7[%dma_wait3A, %dma_wait3A_40] : memref<2x128xi32, #tpu.memory_space<vmem>> -> memref<1x128xi32, #tpu.memory_space<vmem>>
    %dma_wait3A_42 = tpu.memref_squeeze %dma_wait3A_41 : memref<1x128xi32, #tpu.memory_space<vmem>> -> memref<128xi32, #tpu.memory_space<vmem>>
    %dma_wait3A_43 = tpu.memref_slice %arg3[%mul3A_2] : memref<10240xi32, #tpu.memory_space<hbm>> -> memref<128xi32, #tpu.memory_space<hbm>>
    tpu.wait_dma2 semaphore(%arg11 : memref<!tpu.dma_semaphore, #tpu.memory_space<semaphore_mem>>) src(%dma_wait3A_43 : memref<128xi32, #tpu.memory_space<hbm>>) dst(%dma_wait3A_42 : memref<128xi32, #tpu.memory_space<vmem>>)
    %add3A_44 = arith.constant 128 : i32
    %add3A_45 = arith.addi %mul3A_2, %add3A_44 : i32
    %dma_wait3A_46 = arith.constant 1 : i32
    %dma_wait3A_47 = arith.constant 0 : i32
    %dma_wait3A_48 = tpu.memref_slice %arg7[%dma_wait3A_46, %dma_wait3A_47] : memref<2x128xi32, #tpu.memory_space<vmem>> -> memref<1x128xi32, #tpu.memory_space<vmem>>
    %dma_wait3A_49 = tpu.memref_squeeze %dma_wait3A_48 : memref<1x128xi32, #tpu.memory_space<vmem>> -> memref<128xi32, #tpu.memory_space<vmem>>
    %dma_wait3A_50 = tpu.memref_slice %arg3[%add3A_45] : memref<10240xi32, #tpu.memory_space<hbm>> -> memref<128xi32, #tpu.memory_space<hbm>>
    %dma_wait3A_51 = arith.constant 0 : i32
    %dma_wait3A_52 = tpu.memref_slice %arg7[%dma_wait3A_46, %dma_wait3A_51] : memref<2x128xi32, #tpu.memory_space<vmem>> -> memref<1x128xi32, #tpu.memory_space<vmem>>
    %dma_wait3A_53 = tpu.memref_squeeze %dma_wait3A_52 : memref<1x128xi32, #tpu.memory_space<vmem>> -> memref<128xi32, #tpu.memory_space<vmem>>
    %dma_wait3A_54 = tpu.memref_slice %arg3[%add3A_45] : memref<10240xi32, #tpu.memory_space<hbm>> -> memref<128xi32, #tpu.memory_space<hbm>>
    tpu.wait_dma2 semaphore(%arg11 : memref<!tpu.dma_semaphore, #tpu.memory_space<semaphore_mem>>) src(%dma_wait3A_54 : memref<128xi32, #tpu.memory_space<hbm>>) dst(%dma_wait3A_53 : memref<128xi32, #tpu.memory_space<vmem>>)
    %add3A_55 = arith.constant 256 : i32
    %add3A_56 = arith.addi %mul3A_2, %add3A_55 : i32
    %dma_wait3A_57 = tpu.memref_slice %arg3[%add3A_56] : memref<10240xi32, #tpu.memory_space<hbm>> -> memref<64xi32, #tpu.memory_space<hbm>>
    %dma_wait3A_58 = tpu.memref_slice %arg3[%add3A_56] : memref<10240xi32, #tpu.memory_space<hbm>> -> memref<64xi32, #tpu.memory_space<hbm>>
    tpu.wait_dma2 semaphore(%arg11 : memref<!tpu.dma_semaphore, #tpu.memory_space<semaphore_mem>>) src(%dma_wait3A_58 : memref<64xi32, #tpu.memory_space<hbm>>) dst(%arg8 : memref<64xi32, #tpu.memory_space<vmem>>)
    %mul3A_59 = arith.constant 16 : i32
    %mul3A_60 = arith.muli %arg1, %mul3A_59 : i32
    %dma_wait3A_61 = arith.constant 0 : i32
    %dma_wait3A_62 = tpu.memref_slice %arg9[%mul3A_60, %dma_wait3A_61] : memref<272x128xf32, #tpu.memory_space<vmem_shared>> -> memref<16x128xf32, #tpu.memory_space<vmem_shared>>
    tpu.wait_dma2 semaphore(%arg12 : memref<!tpu.dma_semaphore, #tpu.memory_space<semaphore_mem>>) src(%arg4 : memref<16x128xf32, #tpu.memory_space<hbm>>) dst(%dma_wait3A_62 : memref<16x128xf32, #tpu.memory_space<vmem_shared>>)
    %barrier3A = arith.constant 0 : index
    tpu.barrier barrier_id(%barrier3A)
    %lt3A_63 = arith.constant 31 : i32
    %lt3A_64 = arith.cmpi slt, %add3A, %lt3A_63 : i32
    %convert_element_type3A_65 = arith.extui %lt3A_64 : i1 to i32
    %cond3A_66 = arith.constant 0 : i32
    %cond3A_67 = arith.cmpi ne, %convert_element_type3A_65, %cond3A_66 : i32
    scf.if %cond3A_67 {
      %dma_wait3A_80 = arith.constant 0 : i32
      %dma_wait3A_81 = arith.constant 0 : i32
      %dma_wait3A_82 = tpu.memref_slice %arg6[%dma_wait3A_80, %dma_wait3A_81] : memref<320x128xf32, #tpu.memory_space<vmem>> -> memref<320x128xf32, #tpu.memory_space<vmem>>
      %dma_wait3A_83 = arith.constant 0 : i32
      %dma_wait3A_84 = tpu.memref_slice %arg2[%mul3A_2, %dma_wait3A_83] : memref<10000x128xf32, #tpu.memory_space<hbm>> -> memref<320x128xf32, #tpu.memory_space<hbm>>
      %dma_wait3A_85 = arith.constant 0 : i32
      %dma_wait3A_86 = arith.constant 0 : i32
      %dma_wait3A_87 = tpu.memref_slice %arg6[%dma_wait3A_85, %dma_wait3A_86] : memref<320x128xf32, #tpu.memory_space<vmem>> -> memref<320x128xf32, #tpu.memory_space<vmem>>
      %dma_wait3A_88 = arith.constant 0 : i32
      %dma_wait3A_89 = tpu.memref_slice %arg2[%mul3A_2, %dma_wait3A_88] : memref<10000x128xf32, #tpu.memory_space<hbm>> -> memref<320x128xf32, #tpu.memory_space<hbm>>
      tpu.wait_dma2 semaphore(%arg10 : memref<!tpu.dma_semaphore, #tpu.memory_space<semaphore_mem>>) src(%dma_wait3A_89 : memref<320x128xf32, #tpu.memory_space<hbm>>) dst(%dma_wait3A_87 : memref<320x128xf32, #tpu.memory_space<vmem>>)
    } else {
    }
    %eq3A_68 = arith.constant 31 : i32
    %eq3A_69 = arith.cmpi eq, %add3A, %eq3A_68 : i32
    %convert_element_type3A_70 = arith.extui %eq3A_69 : i1 to i32
    %cond3A_71 = arith.constant 0 : i32
    %cond3A_72 = arith.cmpi ne, %convert_element_type3A_70, %cond3A_71 : i32
    scf.if %cond3A_72 {
      %dma_wait3A_80 = arith.constant 0 : i32
      %dma_wait3A_81 = arith.constant 0 : i32
      %dma_wait3A_82 = tpu.memref_slice %arg6[%dma_wait3A_80, %dma_wait3A_81] : memref<320x128xf32, #tpu.memory_space<vmem>> -> memref<80x128xf32, #tpu.memory_space<vmem>>
      %dma_wait3A_83 = arith.constant 0 : i32
      %dma_wait3A_84 = tpu.memref_slice %arg2[%mul3A_2, %dma_wait3A_83] : memref<10000x128xf32, #tpu.memory_space<hbm>> -> memref<80x128xf32, #tpu.memory_space<hbm>>
      %dma_wait3A_85 = arith.constant 0 : i32
      %dma_wait3A_86 = arith.constant 0 : i32
      %dma_wait3A_87 = tpu.memref_slice %arg6[%dma_wait3A_85, %dma_wait3A_86] : memref<320x128xf32, #tpu.memory_space<vmem>> -> memref<80x128xf32, #tpu.memory_space<vmem>>
      %dma_wait3A_88 = arith.constant 0 : i32
      %dma_wait3A_89 = tpu.memref_slice %arg2[%mul3A_2, %dma_wait3A_88] : memref<10000x128xf32, #tpu.memory_space<hbm>> -> memref<80x128xf32, #tpu.memory_space<hbm>>
      tpu.wait_dma2 semaphore(%arg10 : memref<!tpu.dma_semaphore, #tpu.memory_space<semaphore_mem>>) src(%dma_wait3A_89 : memref<80x128xf32, #tpu.memory_space<hbm>>) dst(%dma_wait3A_87 : memref<80x128xf32, #tpu.memory_space<vmem>>)
    } else {
    }
    %run_scoped3A = arith.constant 0 : i32
    "tpu.region"() ({
      %run_scoped3A_80 = tpu.sem_alloc : memref<!tpu.dma_semaphore, #tpu.memory_space<semaphore_mem>>
      %dma_start3A_81 = arith.constant 0 : i32
      %dma_start3A_82 = arith.constant 0 : i32
      %dma_start3A_83 = tpu.memref_slice %arg6[%dma_start3A_81, %dma_start3A_82] : memref<320x128xf32, #tpu.memory_space<vmem>> -> memref<128x128xf32, #tpu.memory_space<vmem>>
      %dma_start3A_84 = arith.constant 0 : i32
      %dma_start3A_85 = tpu.memref_slice %arg7[%run_scoped3A, %dma_start3A_84] : memref<2x128xi32, #tpu.memory_space<vmem>> -> memref<1x128xi32, #tpu.memory_space<vmem>>
      %dma_start3A_86 = tpu.memref_squeeze %dma_start3A_85 : memref<1x128xi32, #tpu.memory_space<vmem>> -> memref<128xi32, #tpu.memory_space<vmem>>
      %dma_start3A_87 = arith.constant 0 : i32
      %dma_start3A_88 = arith.constant 0 : i32
      %dma_start3A_89 = tpu.memref_slice %arg9[%dma_start3A_87, %dma_start3A_88] : memref<272x128xf32, #tpu.memory_space<vmem_shared>> -> memref<272x128xf32, #tpu.memory_space<vmem_shared>>
      tpu.enqueue_indirect_dma source(%dma_start3A_83 : memref<128x128xf32, #tpu.memory_space<vmem>>) target(%dma_start3A_89 : memref<272x128xf32, #tpu.memory_space<vmem_shared>>) offsets(%dma_start3A_86 : memref<128xi32, #tpu.memory_space<vmem>>) semaphore(%run_scoped3A_80 : memref<!tpu.dma_semaphore, #tpu.memory_space<semaphore_mem>>) {add = true}
      %dma_wait3A_90 = arith.constant 0 : i32
      %dma_wait3A_91 = arith.constant 0 : i32
      %dma_wait3A_92 = tpu.memref_slice %arg6[%dma_wait3A_90, %dma_wait3A_91] : memref<320x128xf32, #tpu.memory_space<vmem>> -> memref<128x128xf32, #tpu.memory_space<vmem>>
      %dma_wait3A_93 = arith.constant 0 : i32
      %dma_wait3A_94 = tpu.memref_slice %arg7[%run_scoped3A, %dma_wait3A_93] : memref<2x128xi32, #tpu.memory_space<vmem>> -> memref<1x128xi32, #tpu.memory_space<vmem>>
      %dma_wait3A_95 = tpu.memref_squeeze %dma_wait3A_94 : memref<1x128xi32, #tpu.memory_space<vmem>> -> memref<128xi32, #tpu.memory_space<vmem>>
      %dma_wait3A_96 = arith.constant 0 : i32
      %dma_wait3A_97 = arith.constant 0 : i32
      %dma_wait3A_98 = tpu.memref_slice %arg9[%dma_wait3A_96, %dma_wait3A_97] : memref<272x128xf32, #tpu.memory_space<vmem_shared>> -> memref<272x128xf32, #tpu.memory_space<vmem_shared>>
      tpu.wait_indirect_dma semaphore(%run_scoped3A_80 : memref<!tpu.dma_semaphore, #tpu.memory_space<semaphore_mem>>) src(%dma_wait3A_92 : memref<128x128xf32, #tpu.memory_space<vmem>>) dst(%dma_wait3A_98 : memref<272x128xf32, #tpu.memory_space<vmem_shared>>)
      tpu.yield
    }) : () -> ()
    %run_scoped3A_73 = arith.constant 1 : i32
    "tpu.region"() ({
      %run_scoped3A_80 = tpu.sem_alloc : memref<!tpu.dma_semaphore, #tpu.memory_space<semaphore_mem>>
      %dma_start3A_81 = arith.constant 128 : i32
      %dma_start3A_82 = arith.constant 0 : i32
      %dma_start3A_83 = tpu.memref_slice %arg6[%dma_start3A_81, %dma_start3A_82] : memref<320x128xf32, #tpu.memory_space<vmem>> -> memref<128x128xf32, #tpu.memory_space<vmem>>
      %dma_start3A_84 = arith.constant 0 : i32
      %dma_start3A_85 = tpu.memref_slice %arg7[%run_scoped3A_73, %dma_start3A_84] : memref<2x128xi32, #tpu.memory_space<vmem>> -> memref<1x128xi32, #tpu.memory_space<vmem>>
      %dma_start3A_86 = tpu.memref_squeeze %dma_start3A_85 : memref<1x128xi32, #tpu.memory_space<vmem>> -> memref<128xi32, #tpu.memory_space<vmem>>
      %dma_start3A_87 = arith.constant 0 : i32
      %dma_start3A_88 = arith.constant 0 : i32
      %dma_start3A_89 = tpu.memref_slice %arg9[%dma_start3A_87, %dma_start3A_88] : memref<272x128xf32, #tpu.memory_space<vmem_shared>> -> memref<272x128xf32, #tpu.memory_space<vmem_shared>>
      tpu.enqueue_indirect_dma source(%dma_start3A_83 : memref<128x128xf32, #tpu.memory_space<vmem>>) target(%dma_start3A_89 : memref<272x128xf32, #tpu.memory_space<vmem_shared>>) offsets(%dma_start3A_86 : memref<128xi32, #tpu.memory_space<vmem>>) semaphore(%run_scoped3A_80 : memref<!tpu.dma_semaphore, #tpu.memory_space<semaphore_mem>>) {add = true}
      %dma_wait3A_90 = arith.constant 128 : i32
      %dma_wait3A_91 = arith.constant 0 : i32
      %dma_wait3A_92 = tpu.memref_slice %arg6[%dma_wait3A_90, %dma_wait3A_91] : memref<320x128xf32, #tpu.memory_space<vmem>> -> memref<128x128xf32, #tpu.memory_space<vmem>>
      %dma_wait3A_93 = arith.constant 0 : i32
      %dma_wait3A_94 = tpu.memref_slice %arg7[%run_scoped3A_73, %dma_wait3A_93] : memref<2x128xi32, #tpu.memory_space<vmem>> -> memref<1x128xi32, #tpu.memory_space<vmem>>
      %dma_wait3A_95 = tpu.memref_squeeze %dma_wait3A_94 : memref<1x128xi32, #tpu.memory_space<vmem>> -> memref<128xi32, #tpu.memory_space<vmem>>
      %dma_wait3A_96 = arith.constant 0 : i32
      %dma_wait3A_97 = arith.constant 0 : i32
      %dma_wait3A_98 = tpu.memref_slice %arg9[%dma_wait3A_96, %dma_wait3A_97] : memref<272x128xf32, #tpu.memory_space<vmem_shared>> -> memref<272x128xf32, #tpu.memory_space<vmem_shared>>
      tpu.wait_indirect_dma semaphore(%run_scoped3A_80 : memref<!tpu.dma_semaphore, #tpu.memory_space<semaphore_mem>>) src(%dma_wait3A_92 : memref<128x128xf32, #tpu.memory_space<vmem>>) dst(%dma_wait3A_98 : memref<272x128xf32, #tpu.memory_space<vmem_shared>>)
      tpu.yield
    }) : () -> ()
    "tpu.region"() ({
      %run_scoped3A_80 = tpu.sem_alloc : memref<!tpu.dma_semaphore, #tpu.memory_space<semaphore_mem>>
      %dma_start3A_81 = arith.constant 256 : i32
      %dma_start3A_82 = arith.constant 0 : i32
      %dma_start3A_83 = tpu.memref_slice %arg6[%dma_start3A_81, %dma_start3A_82] : memref<320x128xf32, #tpu.memory_space<vmem>> -> memref<64x128xf32, #tpu.memory_space<vmem>>
      %dma_start3A_84 = arith.constant 0 : i32
      %dma_start3A_85 = arith.constant 0 : i32
      %dma_start3A_86 = tpu.memref_slice %arg9[%dma_start3A_84, %dma_start3A_85] : memref<272x128xf32, #tpu.memory_space<vmem_shared>> -> memref<272x128xf32, #tpu.memory_space<vmem_shared>>
      tpu.enqueue_indirect_dma source(%dma_start3A_83 : memref<64x128xf32, #tpu.memory_space<vmem>>) target(%dma_start3A_86 : memref<272x128xf32, #tpu.memory_space<vmem_shared>>) offsets(%arg8 : memref<64xi32, #tpu.memory_space<vmem>>) semaphore(%run_scoped3A_80 : memref<!tpu.dma_semaphore, #tpu.memory_space<semaphore_mem>>) {add = true}
      %dma_wait3A_87 = arith.constant 256 : i32
      %dma_wait3A_88 = arith.constant 0 : i32
      %dma_wait3A_89 = tpu.memref_slice %arg6[%dma_wait3A_87, %dma_wait3A_88] : memref<320x128xf32, #tpu.memory_space<vmem>> -> memref<64x128xf32, #tpu.memory_space<vmem>>
      %dma_wait3A_90 = arith.constant 0 : i32
      %dma_wait3A_91 = arith.constant 0 : i32
      %dma_wait3A_92 = tpu.memref_slice %arg9[%dma_wait3A_90, %dma_wait3A_91] : memref<272x128xf32, #tpu.memory_space<vmem_shared>> -> memref<272x128xf32, #tpu.memory_space<vmem_shared>>
      tpu.wait_indirect_dma semaphore(%run_scoped3A_80 : memref<!tpu.dma_semaphore, #tpu.memory_space<semaphore_mem>>) src(%dma_wait3A_89 : memref<64x128xf32, #tpu.memory_space<vmem>>) dst(%dma_wait3A_92 : memref<272x128xf32, #tpu.memory_space<vmem_shared>>)
      tpu.yield
    }) : () -> ()
    %barrier3A_74 = arith.constant 0 : index
    tpu.barrier barrier_id(%barrier3A_74)
    %eq3A_75 = arith.constant 0 : i32
    %eq3A_76 = arith.cmpi eq, %arg1, %eq3A_75 : i32
    %convert_element_type3A_77 = arith.extui %eq3A_76 : i1 to i32
    %cond3A_78 = arith.constant 0 : i32
    %cond3A_79 = arith.cmpi ne, %convert_element_type3A_77, %cond3A_78 : i32
    scf.if %cond3A_79 {
      "tpu.region"() ({
        %run_scoped3A_80 = tpu.sem_alloc : memref<!tpu.dma_semaphore, #tpu.memory_space<semaphore_mem>>
        %dma_start3A_81 = arith.constant 0 : i32
        %dma_start3A_82 = arith.constant 0 : i32
        %dma_start3A_83 = tpu.memref_slice %arg5[%arg0, %dma_start3A_81, %dma_start3A_82] : memref<2x256x128xf32, #tpu.memory_space<hbm>> -> memref<1x256x128xf32, #tpu.memory_space<hbm>>
        %dma_start3A_84 = tpu.memref_squeeze %dma_start3A_83 : memref<1x256x128xf32, #tpu.memory_space<hbm>> -> memref<256x128xf32, #tpu.memory_space<hbm>>
        %dma_start3A_85 = arith.constant 0 : i32
        %dma_start3A_86 = arith.constant 0 : i32
        %dma_start3A_87 = tpu.memref_slice %arg9[%dma_start3A_85, %dma_start3A_86] : memref<272x128xf32, #tpu.memory_space<vmem_shared>> -> memref<256x128xf32, #tpu.memory_space<vmem_shared>>
        tpu.enqueue_dma source(%dma_start3A_87 : memref<256x128xf32, #tpu.memory_space<vmem_shared>>) target(%dma_start3A_84 : memref<256x128xf32, #tpu.memory_space<hbm>>) target_semaphore(%run_scoped3A_80 : memref<!tpu.dma_semaphore, #tpu.memory_space<semaphore_mem>>)
        %dma_wait3A_88 = arith.constant 0 : i32
        %dma_wait3A_89 = arith.constant 0 : i32
        %dma_wait3A_90 = tpu.memref_slice %arg5[%arg0, %dma_wait3A_88, %dma_wait3A_89] : memref<2x256x128xf32, #tpu.memory_space<hbm>> -> memref<1x256x128xf32, #tpu.memory_space<hbm>>
        %dma_wait3A_91 = tpu.memref_squeeze %dma_wait3A_90 : memref<1x256x128xf32, #tpu.memory_space<hbm>> -> memref<256x128xf32, #tpu.memory_space<hbm>>
        %dma_wait3A_92 = arith.constant 0 : i32
        %dma_wait3A_93 = arith.constant 0 : i32
        %dma_wait3A_94 = tpu.memref_slice %arg9[%dma_wait3A_92, %dma_wait3A_93] : memref<272x128xf32, #tpu.memory_space<vmem_shared>> -> memref<256x128xf32, #tpu.memory_space<vmem_shared>>
        tpu.wait_dma2 semaphore(%run_scoped3A_80 : memref<!tpu.dma_semaphore, #tpu.memory_space<semaphore_mem>>) src(%dma_wait3A_94 : memref<256x128xf32, #tpu.memory_space<vmem_shared>>) dst(%dma_wait3A_91 : memref<256x128xf32, #tpu.memory_space<hbm>>)
        tpu.yield
      }) : () -> ()
    } else {
    }
    return
  }
}

module attributes {stable_mosaic.version = 14 : i64} {
  func.func @_mlp_body(%arg0: memref<2x256x128xf32, #tpu.memory_space<vmem>>, %arg1: memref<256x1xf32, #tpu.memory_space<vmem>>, %arg2: memref<256x128xf32, #tpu.memory_space<vmem>>, %arg3: memref<256x128xf32, #tpu.memory_space<vmem>>, %arg4: memref<1x128xf32, #tpu.memory_space<vmem>>, %arg5: memref<128x128xf32, #tpu.memory_space<vmem>>, %arg6: memref<1x128xf32, #tpu.memory_space<vmem>>, %arg7: memref<256x128xf32, #tpu.memory_space<vmem>>) attributes {dimension_semantics = [], scalar_prefetch = 0 : i64, scratch_operands = 0 : i64, tpu.core_type = #tpu.core_type<tc>} {
    %get3A = arith.constant 0 : index
    %get3A_0 = arith.constant 0 : index
    %get3A_1 = arith.constant 0 : index
    %get3A_2 = vector.load %arg0[%get3A, %get3A_0, %get3A_1] : memref<2x256x128xf32, #tpu.memory_space<vmem>>, vector<1x256x128xf32>
    %get3A_3 = vector.shape_cast %get3A_2 : vector<1x256x128xf32> to vector<256x128xf32>
    %get3A_4 = arith.constant 1 : index
    %get3A_5 = arith.constant 0 : index
    %get3A_6 = arith.constant 0 : index
    %get3A_7 = vector.load %arg0[%get3A_4, %get3A_5, %get3A_6] : memref<2x256x128xf32, #tpu.memory_space<vmem>>, vector<1x256x128xf32>
    %get3A_8 = vector.shape_cast %get3A_7 : vector<1x256x128xf32> to vector<256x128xf32>
    %add3A = arith.addf %get3A_3, %get3A_8 : vector<256x128xf32>
    %get3A_9 = arith.constant 0 : index
    %get3A_10 = arith.constant 0 : index
    %get3A_11 = vector.load %arg1[%get3A_9, %get3A_10] : memref<256x1xf32, #tpu.memory_space<vmem>>, vector<256x1xf32>
    %max3A = arith.constant 1.000000e+00 : f32
    %max3A_12 = vector.broadcast %max3A : f32 to vector<256x1xf32>
    %max3A_13 = arith.maximumf %get3A_11, %max3A_12 : vector<256x1xf32>
    %div3A = vector.broadcast %max3A_13 : vector<256x1xf32> to vector<256x128xf32>
    %div3A_14 = arith.divf %add3A, %div3A : vector<256x128xf32>
    %get3A_15 = arith.constant 0 : index
    %get3A_16 = arith.constant 0 : index
    %get3A_17 = vector.load %arg2[%get3A_15, %get3A_16] : memref<256x128xf32, #tpu.memory_space<vmem>>, vector<256x128xf32>
    %get3A_18 = arith.constant 0 : index
    %get3A_19 = arith.constant 0 : index
    %get3A_20 = vector.load %arg3[%get3A_18, %get3A_19] : memref<256x128xf32, #tpu.memory_space<vmem>>, vector<128x128xf32>
    %dot_general3A = arith.constant dense<0.000000e+00> : vector<256x128xf32>
    %dot_general3A_21 = tpu.matmul %get3A_17, %get3A_20, %dot_general3A {dimension_numbers = #tpu.dot_dimension_numbers<[1], [0], [0], [1], [0, 0, 1, 1], [], []>, transpose_lhs_hint = false} : vector<256x128xf32>, vector<128x128xf32>, vector<256x128xf32> -> vector<256x128xf32>
    %get3A_22 = arith.constant 128 : index
    %get3A_23 = arith.constant 0 : index
    %get3A_24 = vector.load %arg3[%get3A_22, %get3A_23] : memref<256x128xf32, #tpu.memory_space<vmem>>, vector<128x128xf32>
    %dot_general3A_25 = arith.constant dense<0.000000e+00> : vector<256x128xf32>
    %dot_general3A_26 = tpu.matmul %div3A_14, %get3A_24, %dot_general3A_25 {dimension_numbers = #tpu.dot_dimension_numbers<[1], [0], [0], [1], [0, 0, 1, 1], [], []>, transpose_lhs_hint = false} : vector<256x128xf32>, vector<128x128xf32>, vector<256x128xf32> -> vector<256x128xf32>
    %add3A_27 = arith.addf %dot_general3A_21, %dot_general3A_26 : vector<256x128xf32>
    %get3A_28 = arith.constant 0 : index
    %get3A_29 = arith.constant 0 : index
    %get3A_30 = vector.load %arg4[%get3A_28, %get3A_29] : memref<1x128xf32, #tpu.memory_space<vmem>>, vector<1x128xf32>
    %add3A_31 = vector.broadcast %get3A_30 : vector<1x128xf32> to vector<256x128xf32>
    %add3A_32 = arith.addf %add3A_27, %add3A_31 : vector<256x128xf32>
    %max3A_33 = arith.constant 0.000000e+00 : f32
    %max3A_34 = vector.broadcast %max3A_33 : f32 to vector<256x128xf32>
    %max3A_35 = arith.maximumf %add3A_32, %max3A_34 : vector<256x128xf32>
    %get3A_36 = arith.constant 0 : index
    %get3A_37 = arith.constant 0 : index
    %get3A_38 = vector.load %arg5[%get3A_36, %get3A_37] : memref<128x128xf32, #tpu.memory_space<vmem>>, vector<128x128xf32>
    %dot_general3A_39 = arith.constant dense<0.000000e+00> : vector<256x128xf32>
    %dot_general3A_40 = tpu.matmul %max3A_35, %get3A_38, %dot_general3A_39 {dimension_numbers = #tpu.dot_dimension_numbers<[1], [0], [0], [1], [0, 0, 1, 1], [], []>, transpose_lhs_hint = false} : vector<256x128xf32>, vector<128x128xf32>, vector<256x128xf32> -> vector<256x128xf32>
    %get3A_41 = arith.constant 0 : index
    %get3A_42 = arith.constant 0 : index
    %get3A_43 = vector.load %arg6[%get3A_41, %get3A_42] : memref<1x128xf32, #tpu.memory_space<vmem>>, vector<1x128xf32>
    %add3A_44 = vector.broadcast %get3A_43 : vector<1x128xf32> to vector<256x128xf32>
    %add3A_45 = arith.addf %dot_general3A_40, %add3A_44 : vector<256x128xf32>
    %add3A_46 = arith.addf %add3A_45, %get3A_17 : vector<256x128xf32>
    %swap3A = arith.constant 0 : index
    %swap3A_47 = arith.constant 0 : index
    %swap3A_48 = vector.load %arg7[%swap3A, %swap3A_47] : memref<256x128xf32, #tpu.memory_space<vmem>>, vector<256x128xf32>
    tpu.vector_store %arg7[%swap3A, %swap3A_47], %add3A_46 {strides = array<i32>} : memref<256x128xf32, #tpu.memory_space<vmem>>, vector<256x128xf32>,
    return
  }
}

module attributes {stable_mosaic.version = 14 : i64} {
  func.func @_hist_body(%arg0: memref<10240xi32, #tpu.memory_space<vmem>>, %arg1: memref<256x1xf32, #tpu.memory_space<vmem>>) attributes {dimension_semantics = [], scalar_prefetch = 0 : i64, scratch_operands = 0 : i64, tpu.core_type = #tpu.core_type<tc>} {
    %iota3A = tpu.iota {dimensions = array<i32: 0>} : vector<256x1xi32>
    %get3A = arith.constant 0 : index
    %get3A_0 = vector.load %arg0[%get3A] : memref<10240xi32, #tpu.memory_space<vmem>>, vector<10240xi32>
    %reshape3A = vector.shape_cast %get3A_0 : vector<10240xi32> to vector<20x512xi32>
    %broadcast_in_dim3A = arith.constant 0.000000e+00 : f32
    %broadcast_in_dim3A_1 = vector.broadcast %broadcast_in_dim3A : f32 to vector<256x512xf32>
    %slice3A = vector.extract_strided_slice %reshape3A {offsets = [0, 0], sizes = [1, 512], strides = [1, 1]} : vector<20x512xi32> to vector<1x512xi32>
    %eq3A = vector.broadcast %slice3A : vector<1x512xi32> to vector<256x512xi32>
    %eq3A_2 = vector.broadcast %iota3A : vector<256x1xi32> to vector<256x512xi32>
    %eq3A_3 = arith.cmpi eq, %eq3A, %eq3A_2 : vector<256x512xi32>
    %convert_element_type3A = arith.extui %eq3A_3 : vector<256x512xi1> to vector<256x512xi32>
    %convert_element_type3A_4 = arith.sitofp %convert_element_type3A : vector<256x512xi32> to vector<256x512xf32>
    %add3A = arith.addf %broadcast_in_dim3A_1, %convert_element_type3A_4 : vector<256x512xf32>
    %slice3A_5 = vector.extract_strided_slice %reshape3A {offsets = [1, 0], sizes = [1, 512], strides = [1, 1]} : vector<20x512xi32> to vector<1x512xi32>
    %eq3A_6 = vector.broadcast %slice3A_5 : vector<1x512xi32> to vector<256x512xi32>
    %eq3A_7 = vector.broadcast %iota3A : vector<256x1xi32> to vector<256x512xi32>
    %eq3A_8 = arith.cmpi eq, %eq3A_6, %eq3A_7 : vector<256x512xi32>
    %convert_element_type3A_9 = arith.extui %eq3A_8 : vector<256x512xi1> to vector<256x512xi32>
    %convert_element_type3A_10 = arith.sitofp %convert_element_type3A_9 : vector<256x512xi32> to vector<256x512xf32>
    %add3A_11 = arith.addf %add3A, %convert_element_type3A_10 : vector<256x512xf32>
    %slice3A_12 = vector.extract_strided_slice %reshape3A {offsets = [2, 0], sizes = [1, 512], strides = [1, 1]} : vector<20x512xi32> to vector<1x512xi32>
    %eq3A_13 = vector.broadcast %slice3A_12 : vector<1x512xi32> to vector<256x512xi32>
    %eq3A_14 = vector.broadcast %iota3A : vector<256x1xi32> to vector<256x512xi32>
    %eq3A_15 = arith.cmpi eq, %eq3A_13, %eq3A_14 : vector<256x512xi32>
    %convert_element_type3A_16 = arith.extui %eq3A_15 : vector<256x512xi1> to vector<256x512xi32>
    %convert_element_type3A_17 = arith.sitofp %convert_element_type3A_16 : vector<256x512xi32> to vector<256x512xf32>
    %add3A_18 = arith.addf %add3A_11, %convert_element_type3A_17 : vector<256x512xf32>
    %slice3A_19 = vector.extract_strided_slice %reshape3A {offsets = [3, 0], sizes = [1, 512], strides = [1, 1]} : vector<20x512xi32> to vector<1x512xi32>
    %eq3A_20 = vector.broadcast %slice3A_19 : vector<1x512xi32> to vector<256x512xi32>
    %eq3A_21 = vector.broadcast %iota3A : vector<256x1xi32> to vector<256x512xi32>
    %eq3A_22 = arith.cmpi eq, %eq3A_20, %eq3A_21 : vector<256x512xi32>
    %convert_element_type3A_23 = arith.extui %eq3A_22 : vector<256x512xi1> to vector<256x512xi32>
    %convert_element_type3A_24 = arith.sitofp %convert_element_type3A_23 : vector<256x512xi32> to vector<256x512xf32>
    %add3A_25 = arith.addf %add3A_18, %convert_element_type3A_24 : vector<256x512xf32>
    %slice3A_26 = vector.extract_strided_slice %reshape3A {offsets = [4, 0], sizes = [1, 512], strides = [1, 1]} : vector<20x512xi32> to vector<1x512xi32>
    %eq3A_27 = vector.broadcast %slice3A_26 : vector<1x512xi32> to vector<256x512xi32>
    %eq3A_28 = vector.broadcast %iota3A : vector<256x1xi32> to vector<256x512xi32>
    %eq3A_29 = arith.cmpi eq, %eq3A_27, %eq3A_28 : vector<256x512xi32>
    %convert_element_type3A_30 = arith.extui %eq3A_29 : vector<256x512xi1> to vector<256x512xi32>
    %convert_element_type3A_31 = arith.sitofp %convert_element_type3A_30 : vector<256x512xi32> to vector<256x512xf32>
    %add3A_32 = arith.addf %add3A_25, %convert_element_type3A_31 : vector<256x512xf32>
    %slice3A_33 = vector.extract_strided_slice %reshape3A {offsets = [5, 0], sizes = [1, 512], strides = [1, 1]} : vector<20x512xi32> to vector<1x512xi32>
    %eq3A_34 = vector.broadcast %slice3A_33 : vector<1x512xi32> to vector<256x512xi32>
    %eq3A_35 = vector.broadcast %iota3A : vector<256x1xi32> to vector<256x512xi32>
    %eq3A_36 = arith.cmpi eq, %eq3A_34, %eq3A_35 : vector<256x512xi32>
    %convert_element_type3A_37 = arith.extui %eq3A_36 : vector<256x512xi1> to vector<256x512xi32>
    %convert_element_type3A_38 = arith.sitofp %convert_element_type3A_37 : vector<256x512xi32> to vector<256x512xf32>
    %add3A_39 = arith.addf %add3A_32, %convert_element_type3A_38 : vector<256x512xf32>
    %slice3A_40 = vector.extract_strided_slice %reshape3A {offsets = [6, 0], sizes = [1, 512], strides = [1, 1]} : vector<20x512xi32> to vector<1x512xi32>
    %eq3A_41 = vector.broadcast %slice3A_40 : vector<1x512xi32> to vector<256x512xi32>
    %eq3A_42 = vector.broadcast %iota3A : vector<256x1xi32> to vector<256x512xi32>
    %eq3A_43 = arith.cmpi eq, %eq3A_41, %eq3A_42 : vector<256x512xi32>
    %convert_element_type3A_44 = arith.extui %eq3A_43 : vector<256x512xi1> to vector<256x512xi32>
    %convert_element_type3A_45 = arith.sitofp %convert_element_type3A_44 : vector<256x512xi32> to vector<256x512xf32>
    %add3A_46 = arith.addf %add3A_39, %convert_element_type3A_45 : vector<256x512xf32>
    %slice3A_47 = vector.extract_strided_slice %reshape3A {offsets = [7, 0], sizes = [1, 512], strides = [1, 1]} : vector<20x512xi32> to vector<1x512xi32>
    %eq3A_48 = vector.broadcast %slice3A_47 : vector<1x512xi32> to vector<256x512xi32>
    %eq3A_49 = vector.broadcast %iota3A : vector<256x1xi32> to vector<256x512xi32>
    %eq3A_50 = arith.cmpi eq, %eq3A_48, %eq3A_49 : vector<256x512xi32>
    %convert_element_type3A_51 = arith.extui %eq3A_50 : vector<256x512xi1> to vector<256x512xi32>
    %convert_element_type3A_52 = arith.sitofp %convert_element_type3A_51 : vector<256x512xi32> to vector<256x512xf32>
    %add3A_53 = arith.addf %add3A_46, %convert_element_type3A_52 : vector<256x512xf32>
    %slice3A_54 = vector.extract_strided_slice %reshape3A {offsets = [8, 0], sizes = [1, 512], strides = [1, 1]} : vector<20x512xi32> to vector<1x512xi32>
    %eq3A_55 = vector.broadcast %slice3A_54 : vector<1x512xi32> to vector<256x512xi32>
    %eq3A_56 = vector.broadcast %iota3A : vector<256x1xi32> to vector<256x512xi32>
    %eq3A_57 = arith.cmpi eq, %eq3A_55, %eq3A_56 : vector<256x512xi32>
    %convert_element_type3A_58 = arith.extui %eq3A_57 : vector<256x512xi1> to vector<256x512xi32>
    %convert_element_type3A_59 = arith.sitofp %convert_element_type3A_58 : vector<256x512xi32> to vector<256x512xf32>
    %add3A_60 = arith.addf %add3A_53, %convert_element_type3A_59 : vector<256x512xf32>
    %slice3A_61 = vector.extract_strided_slice %reshape3A {offsets = [9, 0], sizes = [1, 512], strides = [1, 1]} : vector<20x512xi32> to vector<1x512xi32>
    %eq3A_62 = vector.broadcast %slice3A_61 : vector<1x512xi32> to vector<256x512xi32>
    %eq3A_63 = vector.broadcast %iota3A : vector<256x1xi32> to vector<256x512xi32>
    %eq3A_64 = arith.cmpi eq, %eq3A_62, %eq3A_63 : vector<256x512xi32>
    %convert_element_type3A_65 = arith.extui %eq3A_64 : vector<256x512xi1> to vector<256x512xi32>
    %convert_element_type3A_66 = arith.sitofp %convert_element_type3A_65 : vector<256x512xi32> to vector<256x512xf32>
    %add3A_67 = arith.addf %add3A_60, %convert_element_type3A_66 : vector<256x512xf32>
    %slice3A_68 = vector.extract_strided_slice %reshape3A {offsets = [10, 0], sizes = [1, 512], strides = [1, 1]} : vector<20x512xi32> to vector<1x512xi32>
    %eq3A_69 = vector.broadcast %slice3A_68 : vector<1x512xi32> to vector<256x512xi32>
    %eq3A_70 = vector.broadcast %iota3A : vector<256x1xi32> to vector<256x512xi32>
    %eq3A_71 = arith.cmpi eq, %eq3A_69, %eq3A_70 : vector<256x512xi32>
    %convert_element_type3A_72 = arith.extui %eq3A_71 : vector<256x512xi1> to vector<256x512xi32>
    %convert_element_type3A_73 = arith.sitofp %convert_element_type3A_72 : vector<256x512xi32> to vector<256x512xf32>
    %add3A_74 = arith.addf %add3A_67, %convert_element_type3A_73 : vector<256x512xf32>
    %slice3A_75 = vector.extract_strided_slice %reshape3A {offsets = [11, 0], sizes = [1, 512], strides = [1, 1]} : vector<20x512xi32> to vector<1x512xi32>
    %eq3A_76 = vector.broadcast %slice3A_75 : vector<1x512xi32> to vector<256x512xi32>
    %eq3A_77 = vector.broadcast %iota3A : vector<256x1xi32> to vector<256x512xi32>
    %eq3A_78 = arith.cmpi eq, %eq3A_76, %eq3A_77 : vector<256x512xi32>
    %convert_element_type3A_79 = arith.extui %eq3A_78 : vector<256x512xi1> to vector<256x512xi32>
    %convert_element_type3A_80 = arith.sitofp %convert_element_type3A_79 : vector<256x512xi32> to vector<256x512xf32>
    %add3A_81 = arith.addf %add3A_74, %convert_element_type3A_80 : vector<256x512xf32>
    %slice3A_82 = vector.extract_strided_slice %reshape3A {offsets = [12, 0], sizes = [1, 512], strides = [1, 1]} : vector<20x512xi32> to vector<1x512xi32>
    %eq3A_83 = vector.broadcast %slice3A_82 : vector<1x512xi32> to vector<256x512xi32>
    %eq3A_84 = vector.broadcast %iota3A : vector<256x1xi32> to vector<256x512xi32>
    %eq3A_85 = arith.cmpi eq, %eq3A_83, %eq3A_84 : vector<256x512xi32>
    %convert_element_type3A_86 = arith.extui %eq3A_85 : vector<256x512xi1> to vector<256x512xi32>
    %convert_element_type3A_87 = arith.sitofp %convert_element_type3A_86 : vector<256x512xi32> to vector<256x512xf32>
    %add3A_88 = arith.addf %add3A_81, %convert_element_type3A_87 : vector<256x512xf32>
    %slice3A_89 = vector.extract_strided_slice %reshape3A {offsets = [13, 0], sizes = [1, 512], strides = [1, 1]} : vector<20x512xi32> to vector<1x512xi32>
    %eq3A_90 = vector.broadcast %slice3A_89 : vector<1x512xi32> to vector<256x512xi32>
    %eq3A_91 = vector.broadcast %iota3A : vector<256x1xi32> to vector<256x512xi32>
    %eq3A_92 = arith.cmpi eq, %eq3A_90, %eq3A_91 : vector<256x512xi32>
    %convert_element_type3A_93 = arith.extui %eq3A_92 : vector<256x512xi1> to vector<256x512xi32>
    %convert_element_type3A_94 = arith.sitofp %convert_element_type3A_93 : vector<256x512xi32> to vector<256x512xf32>
    %add3A_95 = arith.addf %add3A_88, %convert_element_type3A_94 : vector<256x512xf32>
    %slice3A_96 = vector.extract_strided_slice %reshape3A {offsets = [14, 0], sizes = [1, 512], strides = [1, 1]} : vector<20x512xi32> to vector<1x512xi32>
    %eq3A_97 = vector.broadcast %slice3A_96 : vector<1x512xi32> to vector<256x512xi32>
    %eq3A_98 = vector.broadcast %iota3A : vector<256x1xi32> to vector<256x512xi32>
    %eq3A_99 = arith.cmpi eq, %eq3A_97, %eq3A_98 : vector<256x512xi32>
    %convert_element_type3A_100 = arith.extui %eq3A_99 : vector<256x512xi1> to vector<256x512xi32>
    %convert_element_type3A_101 = arith.sitofp %convert_element_type3A_100 : vector<256x512xi32> to vector<256x512xf32>
    %add3A_102 = arith.addf %add3A_95, %convert_element_type3A_101 : vector<256x512xf32>
    %slice3A_103 = vector.extract_strided_slice %reshape3A {offsets = [15, 0], sizes = [1, 512], strides = [1, 1]} : vector<20x512xi32> to vector<1x512xi32>
    %eq3A_104 = vector.broadcast %slice3A_103 : vector<1x512xi32> to vector<256x512xi32>
    %eq3A_105 = vector.broadcast %iota3A : vector<256x1xi32> to vector<256x512xi32>
    %eq3A_106 = arith.cmpi eq, %eq3A_104, %eq3A_105 : vector<256x512xi32>
    %convert_element_type3A_107 = arith.extui %eq3A_106 : vector<256x512xi1> to vector<256x512xi32>
    %convert_element_type3A_108 = arith.sitofp %convert_element_type3A_107 : vector<256x512xi32> to vector<256x512xf32>
    %add3A_109 = arith.addf %add3A_102, %convert_element_type3A_108 : vector<256x512xf32>
    %slice3A_110 = vector.extract_strided_slice %reshape3A {offsets = [16, 0], sizes = [1, 512], strides = [1, 1]} : vector<20x512xi32> to vector<1x512xi32>
    %eq3A_111 = vector.broadcast %slice3A_110 : vector<1x512xi32> to vector<256x512xi32>
    %eq3A_112 = vector.broadcast %iota3A : vector<256x1xi32> to vector<256x512xi32>
    %eq3A_113 = arith.cmpi eq, %eq3A_111, %eq3A_112 : vector<256x512xi32>
    %convert_element_type3A_114 = arith.extui %eq3A_113 : vector<256x512xi1> to vector<256x512xi32>
    %convert_element_type3A_115 = arith.sitofp %convert_element_type3A_114 : vector<256x512xi32> to vector<256x512xf32>
    %add3A_116 = arith.addf %add3A_109, %convert_element_type3A_115 : vector<256x512xf32>
    %slice3A_117 = vector.extract_strided_slice %reshape3A {offsets = [17, 0], sizes = [1, 512], strides = [1, 1]} : vector<20x512xi32> to vector<1x512xi32>
    %eq3A_118 = vector.broadcast %slice3A_117 : vector<1x512xi32> to vector<256x512xi32>
    %eq3A_119 = vector.broadcast %iota3A : vector<256x1xi32> to vector<256x512xi32>
    %eq3A_120 = arith.cmpi eq, %eq3A_118, %eq3A_119 : vector<256x512xi32>
    %convert_element_type3A_121 = arith.extui %eq3A_120 : vector<256x512xi1> to vector<256x512xi32>
    %convert_element_type3A_122 = arith.sitofp %convert_element_type3A_121 : vector<256x512xi32> to vector<256x512xf32>
    %add3A_123 = arith.addf %add3A_116, %convert_element_type3A_122 : vector<256x512xf32>
    %slice3A_124 = vector.extract_strided_slice %reshape3A {offsets = [18, 0], sizes = [1, 512], strides = [1, 1]} : vector<20x512xi32> to vector<1x512xi32>
    %eq3A_125 = vector.broadcast %slice3A_124 : vector<1x512xi32> to vector<256x512xi32>
    %eq3A_126 = vector.broadcast %iota3A : vector<256x1xi32> to vector<256x512xi32>
    %eq3A_127 = arith.cmpi eq, %eq3A_125, %eq3A_126 : vector<256x512xi32>
    %convert_element_type3A_128 = arith.extui %eq3A_127 : vector<256x512xi1> to vector<256x512xi32>
    %convert_element_type3A_129 = arith.sitofp %convert_element_type3A_128 : vector<256x512xi32> to vector<256x512xf32>
    %add3A_130 = arith.addf %add3A_123, %convert_element_type3A_129 : vector<256x512xf32>
    %slice3A_131 = vector.extract_strided_slice %reshape3A {offsets = [19, 0], sizes = [1, 512], strides = [1, 1]} : vector<20x512xi32> to vector<1x512xi32>
    %eq3A_132 = vector.broadcast %slice3A_131 : vector<1x512xi32> to vector<256x512xi32>
    %eq3A_133 = vector.broadcast %iota3A : vector<256x1xi32> to vector<256x512xi32>
    %eq3A_134 = arith.cmpi eq, %eq3A_132, %eq3A_133 : vector<256x512xi32>
    %convert_element_type3A_135 = arith.extui %eq3A_134 : vector<256x512xi1> to vector<256x512xi32>
    %convert_element_type3A_136 = arith.sitofp %convert_element_type3A_135 : vector<256x512xi32> to vector<256x512xf32>
    %add3A_137 = arith.addf %add3A_130, %convert_element_type3A_136 : vector<256x512xf32>
    %slice3A_138 = vector.extract_strided_slice %add3A_137 {offsets = [0, 0], sizes = [256, 128], strides = [1, 1]} : vector<256x512xf32> to vector<256x128xf32>
    %slice3A_139 = vector.extract_strided_slice %add3A_137 {offsets = [0, 128], sizes = [256, 128], strides = [1, 1]} : vector<256x512xf32> to vector<256x128xf32>
    %add3A_140 = arith.addf %slice3A_138, %slice3A_139 : vector<256x128xf32>
    %slice3A_141 = vector.extract_strided_slice %add3A_137 {offsets = [0, 256], sizes = [256, 128], strides = [1, 1]} : vector<256x512xf32> to vector<256x128xf32>
    %add3A_142 = arith.addf %add3A_140, %slice3A_141 : vector<256x128xf32>
    %slice3A_143 = vector.extract_strided_slice %add3A_137 {offsets = [0, 384], sizes = [256, 128], strides = [1, 1]} : vector<256x512xf32> to vector<256x128xf32>
    %add3A_144 = arith.addf %add3A_142, %slice3A_143 : vector<256x128xf32>
    %reduce_sum3A = arith.constant dense<0.000000e+00> : vector<256xf32>
    %reduce_sum3A_145 = vector.multi_reduction <add>, %add3A_144, %reduce_sum3A [1] : vector<256x128xf32> to vector<256xf32>
    %broadcast_in_dim3A_146 = vector.shape_cast %reduce_sum3A_145 : vector<256xf32> to vector<256x1xf32>
    %swap3A = arith.constant 0 : index
    %swap3A_147 = arith.constant 0 : index
    %swap3A_148 = vector.load %arg1[%swap3A, %swap3A_147] : memref<256x1xf32, #tpu.memory_space<vmem>>, vector<256x1xf32>
    tpu.vector_store %arg1[%swap3A, %swap3A_147], %broadcast_in_dim3A_146 {strides = array<i32>} : memref<256x1xf32, #tpu.memory_space<vmem>>, vector<256x1xf32>,
    return
  }
}

</mosaic_0001>

<sc_bundles>
// kernel: kernel.5.cloned.1.call-start
scs
__scs_entry_jumppad:
0x0: {  	(pc) =	sbr.rel $0x88, $3  }
0x1: {  	(tag) =	ssettag $0x0;
	lr =	simm.s32 $0x1  }
0x2: {  	[smem:$0x3F9A] =	sst lr;
	_ =	strace $0xD0000000  }
0x3: {  	_ = 	snop  }
0x4: {  	_ = 	snop  }
0x5: {  	_ = 	snop  }
0x6: {  	_ = 	snop  }
0x7: {  	_ = 	snop  }
__scs_overlays_trampoline_lowered:
0x8: {  	[smem:$0x3FA9] =	sst s0  }
0x9: {  	[smem:$0x3FAA] =	sst s1  }
0xa: {  	[smem:$0x3FAB] =	sst s2  }
0xb: {  	[smem:$0x3FAC] =	sst s3  }
0xc: {  	[smem:$0x3FAD] =	sst s4  }
0xd: {  	[smem:$0x3FAE] =	sst s5  }
0xe: {  	[smem:$0x3FAF] =	sst s6  }
0xf: {  	[smem:$0x3FB0] =	sst s7  }
0x10: {  	[smem:$0x3FB1] =	sst s8  }
0x11: {  	[smem:$0x3FB2] =	sst s9;
	s0 =	simm.s32 @!p0 $0x0  }
0x12: {  	s1 =	sld [smem:$0x3F98];
	s0 =	simm.s32 @p0 $0x1  }
0x13: {  	[smem:$0x3FB3] =	sst s0;
	s0 =	simm.s32 @!p1 $0x0  }
0x14: {  	s2 =	sld [smem:$0x3F97];
	s0 =	simm.s32 @p1 $0x1  }
0x15: {  	[smem:$0x3FB4] =	sst s0;
	s0 =	simm.s32 @!p2 $0x0  }
0x16: {  	s3 =	sld [smem:$0x3FDB];
	s0 =	simm.s32 @p2 $0x1  }
0x17: {  	s4 =	simm.s32 $0x1BF5;
	[smem:$0x3FB6] =	sst s0  }
0x18: {  	s0 =	sld [smem:$0x3F99];
	_ =	swait.ge [sflag:s4], $0x0  }
0x19: {  	s7 =	sld [smem:$0x3F9A]  }
0x1a: {  	s8 =	sadd.s32 $0xFFFFE003, lr  }
0x1b: {  	s9 =	sadd.s32 $0xFFFFFEF7, lr;
	s5 =	simm.s32 $0xFFFFFFFF;
	p2 =	slt.u32 s8, $0xFFFFF086  }
0x1c: {  	p1 =	slt.u32 s9, $0xF7A;
	s5 =	simm.s32 @!p2 $0x0  }
0x1d: {  	s5 =	simm.s32 @p1 $0x1;
	p0 =	seq.s32 s7, s2  }
0x1e: {  	s7 =	smul.u32 @!p0 $0xF7A, s2;
	p2 =	seq.s32 @!p0 s5, $0x0  }
0x1f: {  	s9 =	smul.u32 $0xF7A, s1;
	s8 =	simm.s32 @!p0 $0x1BF5;
	p2 =	por !p2, p0  }
0x20: {  	[sflag:s8] =	ssyncset.s32 @!p0 $0xFFFFF086;
	s6 =	sadd.s32 @!p0 s3, s7;
	s7 =	simm.s32 @!p0 $0x108  }
0x21: {  	s3 =	sadd.s32 s3, s9;
	s6 =	sadd.s32 @!p0 $0x88, s6;
	s7 =	simm.s32 @p2 $0x1082  }
0x22: {  	[simem:s7], [sflag:s8] =	dma.local @!p0 [hbm:s6], $0xF7A  }
0x23: {  	s9 =	sor.u32 $0xD0000000, s2;
	s6 =	simm.s32 $0x108;
	_ =	swait.ge @!p0 [sflag:s8], $0x0  }
0x24: {  	s3 =	sadd.s32 $0x88, s3;
	s6 =	simm.s32 @!p1 $0x1082;
	[sflag:s4] =	ssyncset.s32 $0xFFFFF086  }
0x25: {  	[simem:s6], [sflag:s4] =	dma.local [hbm:s3], $0xF7A  }
0x26: {  	[smem:$0x3F9A] =	sst s1;
	(tag) =	ssettag s2;
	_ =	strace s9  }
0x27: {  	s1 =	sld [smem:$0x3FAA]  }
0x28: {  	s2 =	sld [smem:$0x3FAB]  }
0x29: {  	s4 =	sld [smem:$0x3FAD]  }
0x2a: {  	p0 =	seq.s32 s5, $0x0;
	s5 =	sld [smem:$0x3FAE]  }
0x2b: {  	s6 =	sld [smem:$0x3FAF]  }
0x2c: {  	s7 =	sld [smem:$0x3FB0]  }
0x2d: {  	s3 =	simm.s32 $0x108;
	s8 =	sld [smem:$0x3FB1]  }
0x2e: {  	s3 =	simm.s32 @!p0 $0x1082;
	s9 =	sld [smem:$0x3FB2]  }
0x2f: {  	lr =	sadd.s32 s0, s3;
	s0 =	sld [smem:$0x3FA9]  }
0x30: {  	s3 =	sld [smem:$0x3FAC]  }
0x31: {  	[smem:$0x3FB5] =	sst s10  }
0x32: {  	s10 =	sld [smem:$0x3FB3];
	_ =	sdelay $0x3  }
0x33: {  	p0 =	seq.s32 s10, $0x1;
	s10 =	sld [smem:$0x3FB5];
	_ =	sdelay $0x3  }
0x34: {  	[smem:$0x3FB5] =	sst s10  }
0x35: {  	s10 =	sld [smem:$0x3FB4];
	_ =	sdelay $0x3  }
0x36: {  	p1 =	seq.s32 s10, $0x1;
	s10 =	sld [smem:$0x3FB5];
	_ =	sdelay $0x3  }
0x37: {  	[smem:$0x3FB5] =	sst s10  }
0x38: {  	s10 =	sld [smem:$0x3FB6]  }
0x39: {  	_ = 	snop;
	(pc) =	sbr.ind lr, $3  }
0x3a: {  	_ = 	snop  }
0x3b: {  	_ = 	snop  }
0x3c: {  	p2 =	seq.s32 s10, $0x1;
	s10 =	sld [smem:$0x3FB5]  }
0x3d: {  	_ =	shalt  }
0x3e: {  	_ =	shalt  }
0x3f: {  	_ =	shalt  }
0x40: {  	_ =	shalt  }
0x41: {  	_ =	shalt  }
0x42: {  	_ =	shalt  }
0x43: {  	_ =	shalt  }
0x44: {  	_ =	shalt  }
0x45: {  	_ =	shalt  }
0x46: {  	_ =	shalt  }
0x47: {  	_ =	shalt  }
0x48: {  	_ =	shalt  }
0x49: {  	_ =	shalt  }
0x4a: {  	_ =	shalt  }
0x4b: {  	_ =	shalt  }
0x4c: {  	_ =	shalt  }
0x4d: {  	_ =	shalt  }
0x4e: {  	_ =	shalt  }
0x4f: {  	_ =	shalt  }
0x50: {  	_ =	shalt  }
0x51: {  	_ =	shalt  }
0x52: {  	_ =	shalt  }
0x53: {  	_ =	shalt  }
0x54: {  	_ =	shalt  }
0x55: {  	_ =	shalt  }
0x56: {  	_ =	shalt  }
0x57: {  	_ =	shalt  }
0x58: {  	_ =	shalt  }
0x59: {  	_ =	shalt  }
0x5a: {  	_ =	shalt  }
0x5b: {  	_ =	shalt  }
0x5c: {  	_ =	shalt  }
0x5d: {  	_ =	shalt  }
0x5e: {  	_ =	shalt  }
0x5f: {  	_ =	shalt  }
0x60: {  	_ =	shalt  }
0x61: {  	_ =	shalt  }
0x62: {  	_ =	shalt  }
0x63: {  	_ =	shalt  }
0x64: {  	_ =	shalt  }
0x65: {  	_ =	shalt  }
0x66: {  	_ =	shalt  }
0x67: {  	_ =	shalt  }
0x68: {  	_ =	shalt  }
0x69: {  	_ =	shalt  }
0x6a: {  	_ =	shalt  }
0x6b: {  	_ =	shalt  }
0x6c: {  	_ =	shalt  }
0x6d: {  	_ =	shalt  }
0x6e: {  	_ =	shalt  }
0x6f: {  	_ =	shalt  }
0x70: {  	_ =	shalt  }
0x71: {  	_ =	shalt  }
0x72: {  	_ =	shalt  }
0x73: {  	_ =	shalt  }
0x74: {  	_ =	shalt  }
0x75: {  	_ =	shalt  }
0x76: {  	_ =	shalt  }
0x77: {  	_ =	shalt  }
0x78: {  	_ =	shalt  }
0x79: {  	_ =	shalt  }
0x7a: {  	_ =	shalt  }
0x7b: {  	_ =	shalt  }
0x7c: {  	_ =	shalt  }
0x7d: {  	_ =	shalt  }
0x7e: {  	_ =	shalt  }
0x7f: {  	_ =	shalt  }
0x80: {  	_ =	shalt  }
0x81: {  	_ =	shalt  }
0x82: {  	_ =	shalt  }
0x83: {  	_ =	shalt  }
0x84: {  	_ =	shalt  }
0x85: {  	_ =	shalt  }
0x86: {  	_ =	shalt  }
0x87: {  	_ =	shalt  }
.Lfunc_end0:
.L_simem_size_0:
called_computation_lowered:
.L_overlay_start_0:
0x88: {  	s2 =	sld [smem:$0x3FD9]  }
0x89: {  	s3 =	sld [smem:$0x3FFE];
	_ =	sdelay $0x1  }
0x8a: {  	s1 =	srdreg.scid  }
0x8b: {  	s0 =	sand.u32 $0x1, s1  }
0x8c: {  	s17 =	sshll.u32 s0, $0xA;
	s2 =	sadd.s32 s3, s2  }
0x8d: {  	s2 =	sadd.s32 s2, s17  }
0x8e: {  	[smem:$0x3FC1] =	sst s2  }
0x8f: {  	_ = 	snop  }
0x90: {  	s2 =	sld [smem:$0x3FC9]  }
0x91: {  	s18 =	sld [smem:$0x3FD0];
	(tm) =	ssettm $0x1  }
0x92: {  	s4 =	sld [smem:$0x3FFB];
	_ =	sdelay $0x3  }
0x93: {  	_ =	strace s4  }
0x94: {  	s4 =	sld [smem:$0x3FFC];
	_ =	sdelay $0x3  }
0x95: {  	_ =	strace s4  }
0x96: {  	s4 =	sld [smem:$0x3FFD];
	_ =	sdelay $0x3  }
0x97: {  	_ =	strace s4  }
0x98: {  	_ =	strace $0x8FFFFFFF  }
0x99: {  	s19 =	sld [smem:$0x3FDB];
	_ =	sdelay $0x1  }
0x9a: {  	s5 =	simm.s32 $_scs_section_size  }
0x9b: {  	s6 =	simm.s32 $_size__tile_overlayer_lowered;
	s7 =	simm.s32 $_tile_overlayer_lowered  }
0x9c: {  	s22 =	simm.s32 $0x1BFF;
	s21 =	sshll.u32 s7, $0x1;
	s4 =	sadd.s32 s5, s19  }
0x9d: {  	s8 =	simm.s32 $0x0;
	s20 =	sshll.u32 s6, $0x1;
	s6 =	sadd.s32 s21, s4  }
0x9e: {  	[timem:s8], [sflag:s22] =	dma.local [hbm:s6], s20  }
0x9f: {  	_ =	swait.ge [sflag:s22], s20  }
0xa0: {  	s5 =	ssub.s32 $0x0, s20;
	[sflag:s22] =	ssyncset.done $0x0  }
0xa1: {  	[sflag:s22] =	ssyncadd.s32 s5;
	_ =	sdelay $0x1  }
0xa2: {  	s23 =	simm.s32 $0x1B8B  }
0xa3: {  	_ =	swait.ge [sflag:s23], $0x1  }
0xa4: {  	[sflag:s23] =	ssyncset.done $0x0  }
0xa5: {  	s25 =	simm.s32 $0x1B8E;
	s24 =	sld [smem:$0x3FFE];
	[sflag:s23] =	ssyncadd.s32 $0xFFFFFFFF  }
0xa6: {  	s26 =	simm.s32 $execute0_lowered;
	[smem:$0x3FD2] =	sst s25  }
0xa7: {  	s6 =	sshll.u32 s26, $0x1;
	_ =	strace $0x80000046;
	[dreg:$0x1] =	wrdreg $0xFFFFFFFF  }
0xa8: {  	s28 =	simm.s32 $_size_execute0_lowered;
	s4 =	sadd.s32 s4, s6;
	[dreg:$0x0] =	wrdreg $0x0  }
0xa9: {  	s6 =	sshll.u32 s28, $0x1;
	[dreg:$0x2] =	wrdreg s4  }
0xaa: {  	[dreg:$0x3] =	wrdreg s6  }
0xab: {  	[dreg:$0x4] =	wrdreg $0xC0  }
0xac: {  	_ =	task [dreg:s8], $0x5FFFF  }
0xad: {  	[dreg:$0x1] =	wrdreg $0xFFFFFFFF  }
0xae: {  	[dreg:$0x0] =	wrdreg $0x60  }
0xaf: {  	[dreg:$0x2] =	wrdreg s2  }
0xb0: {  	[dreg:$0x3] =	wrdreg s18  }
0xb1: {  	[dreg:$0x4] =	wrdreg s24  }
0xb2: {  	[dreg:$0x5] =	wrdreg $0xA1800  }
0xb3: {  	[dreg:$0x6] =	wrdreg $0x9  }
0xb4: {  	_ =	task.clear_ibuf [dreg:s8], $0x7FFFF;
	_ =	strace $0x90000046  }
0xb5: {  	s29 =	simm.s32 $0x9;
	_ =	strace $0x80000048  }
0xb6: {  	_ =	swait.ge [sflag:s29], $0x1  }
0xb7: {  	[sflag:s29] =	ssyncadd.s32 $0xFFFFFFFF  }
0xb8: {  	_ =	strace $0x90000048  }
0xb9: {  	_ =	sfence  }
0xba: {  	s30 =	sld [smem:$0x0];
	_ =	sdelay $0x2  }
0xbb: {  	s31 =	sshll.u32 s1, $0xD;
	s1 =	sshrl.u32 s1, $0x2  }
0xbc: {  	s3 =	sand.u32 $0x4000, s31;
	s1 =	sadd.s32 s1, s30  }
0xbd: {  	s0 =	sor.u32 s3, s0;
	s1 =	sshll.u32 s1, $0x11  }
0xbe: {  	s0 =	sor.u32 s1, s0  }
0xbf: {  	s0 =	sadd.s32 $0x8F2B, s0  }
0xc0: {  	[sflag:s0] =	ssyncadd.remote.s32 $0x1  }
0xc1: {  	_ =	sfence.sel $0xFFFF  }
0xc2: {  	[dreg:$0x0] =	wrdreg $0xFFFFFFFF;
	(pc) =	sbr.abs _section_cstart, $3  }
0xc3: {  	[dreg:$0x1] =	wrdreg $0xFFFFFFFF  }
0xc4: {  	_ =	task.clear_ibuf [dreg:s8], $0x2FFFF;
	_ =	strace $0x9FFFFFFF  }
0xc5: {  	(tm) =	ssettm $0x7FFFFFFF  }
tec
execute0_lowered:
.L_overlay_start_1:
0x0: {  	(tag) =	ssettag $0x1  }
0x1: {  	s3 =	rddreg [dreg:$0x0]  }
0x2: {  	s4 =	rddreg [dreg:$0x1]  }
0x3: {  	s5 =	rddreg [dreg:$0x2]  }
0x4: {  	s1 =	rddreg [dreg:$0x3]  }
0x5: {  	s2 =	srdreg.scid;
	s0 =	rddreg [dreg:$0x4]  }
0x6: {  	s8 =	stileid.u32;
	s20 =	simm.s32 $0x2;
	s16 =	simm.s32 $0x3  }
0x7: {  	s13 =	simm.s32 $0x4000;
	p2 =	por $0x0, $0x0;
	s6 =	sand.u32 $0x1, s2  }
0x8: {  	s2 =	simm.s32 $0x0;
	s11 =	sadd.s32 $0x1200, s5;
	s19 =	sadd.s32 $0x26C00, s3  }
0x9: {  	s26 =	sshll.u32 s8, $0xB;
	s31 =	sshll.u32 s8, $0x6;
	p0 =	sne.s32 s8, $0x0  }
0xa: {  	s7 =	sshll.u32 s6, $0x4;
	s10 =	sshll.u32 s6, $0xC;
	s6 =	ssub.s32 $0x2, s6  }
0xb: {  	[smem:$0x7FF] =	sst s2;
	s30 =	sadd.s32 s26, s1;
	s25 =	sshrl.u32 s6, $0x1  }
0xc: {  	s21 =	sor.u32 $0x1C03, s31;
	s7 =	sor.u32 s8, s7;
	s6 =	ssub.s32 s6, s25  }
0xd: {  	_ =	strace $0x80000047;
	s5 =	sadd.s32 s10, s5;
	s10 =	smax.u32 s6, $0x1  }
0xe: {  	s22 =	sshrl.u32 s30, $0x3;
	s9 =	smul.u32 $0x140, s7;
	s29 =	sadd.s32 $0xFFFFFFFF, s10  }
0xf: {  	s8 =	sshrl.u32 @!p0 s1, $0x3;
	s12 =	smul.u32 $0x1400, s7;
	p3 =	sne.s32 s29, $0x0  }
.Ltmp0:
0x10: {  	p1 =	seq.s32 s7, $0x1F;
	s7 =	simm.s32 $0xA000;
	(pc) =	sbr.rel @!p3 .LBB2_3-.Ltmp0, $4  }
0x11: {  	s6 =	simm.s32 $0x4;
	s14 =	sadd.s32 s3, s12;
	s9 =	sshrl.u32 s9, $0x3  }
0x12: {  	s3 =	sadd.s32 $0x1400, s5;
	s5 =	simm.s32 $0xA080;
	s10 =	simm.s32 $0x40  }
0x13: {  	s12 =	simm.s32 $0x8000;
	s15 =	sadd.s32 s4, s9;
	s4 =	simm.s32 $0xA100  }
0x14: {  	s9 =	simm.s32 $0x80;
	s17 =	sadd.s32 $0x10, s15;
	s18 =	sadd.s32 $0x20, s15  }
0x15: {  	s23 =	simm.s32 @p1 $0x0  }
0x16: {  	[tilespmem:s23], [sflag:$0x1] =	stream.linear.gather @p1 [hbm4b:s19+s23], $0x2800, $0x38;
	[tilespmem:$0xAA00] =	vst v63  }
0x17: {  	s24 =	simm.s32 @!p1 $0x0  }
0x18: {  	[tilespmem:s24], [sflag:$0x1] =	stream.linear.gather @!p1 [hbm4b:s14+s24], $0xA000, $0x38;
	[tilespmem:$0xAA00] =	vst v63  }
0x19: {  	_ = 	snop  }
0x1a: {  	[tilespmem:s7], [sflag:$0x2] =	stream.linear.gather [hbm4b:s15+s2], $0x80, $0x38;
	[tilespmem:$0xAA00] =	vst v63  }
0x1b: {  	_ = 	snop  }
0x1c: {  	[tilespmem:s5], [sflag:$0x2] =	stream.linear.gather [hbm4b:s17+s2], $0x80, $0x38;
	[tilespmem:$0xAA00] =	vst v63  }
0x1d: {  	_ = 	snop  }
0x1e: {  	[tilespmem:s4], [sflag:$0x2] =	stream.linear.gather [hbm4b:s18+s2], $0x40, $0x38;
	[tilespmem:$0xAA00] =	vst v63  }
0x1f: {  	[spmem:s22], [sflag:s21] =	dma.local [hbm:s11], $0x100  }
0x20: {  	_ =	swait.ge [sflag:s20], $0x80  }
0x21: {  	[sflag:s20] =	ssyncset.done $0x0  }
0x22: {  	[sflag:s20] =	ssyncadd.s32 $0xFFFFFF80  }
0x23: {  	_ =	swait.ge [sflag:s20], $0x80  }
0x24: {  	[sflag:s20] =	ssyncset.done $0x0  }
0x25: {  	[sflag:s20] =	ssyncadd.s32 $0xFFFFFF80  }
0x26: {  	_ =	swait.ge [sflag:s20], $0x40  }
0x27: {  	[sflag:s20] =	ssyncset.done $0x0  }
0x28: {  	[sflag:s20] =	ssyncadd.s32 $0xFFFFFFC0  }
0x29: {  	_ =	swait.ge [sflag:s16], $0x100  }
0x2a: {  	[sflag:s16] =	ssyncset.done $0x0  }
0x2b: {  	[sflag:s16] =	ssyncadd.s32 $0xFFFFFF00  }
0x2c: {  	s25 =	simm.s32 @p1 $0x1;
	[bflag:$0x0] =	sbarrier.arrive $0xFFFF  }
0x2d: {  	_ =	swait.ge @p1 [sflag:s25], $0x2800  }
0x2e: {  	[sflag:s25] =	ssyncset.done @p1 $0x0  }
0x2f: {  	s26 =	simm.s32 @!p1 $0x1;
	[sflag:s25] =	ssyncadd.s32 @p1 $0xFFFFD800  }
0x30: {  	_ =	swait.ge @!p1 [sflag:s26], $0xA000  }
0x31: {  	[sflag:s26] =	ssyncset.done @!p1 $0x0  }
0x32: {  	[sflag:s26] =	ssyncadd.s32 @!p1 $0xFFFF6000  }
0x33: {  	[spmem:s1] =	stream.indirect.scatter.add.f32 [tilespmem:s2], [sflag:$0x4], $0x80, s7, s9, $0xb8;
	[tilespmem:$0xAA00] =	vst v63  }
0x34: {  	_ =	swait.ge [sflag:s6], $0x4000  }
0x35: {  	[sflag:s6] =	ssyncset.done $0x0  }
0x36: {  	[sflag:s6] =	ssyncadd.s32 $0xFFFFC000  }
0x37: {  	[spmem:s1] =	stream.indirect.scatter.add.f32 [tilespmem:s13], [sflag:$0x4], $0x80, s5, s9, $0xb8;
	[tilespmem:$0xAA00] =	vst v63  }
0x38: {  	_ =	swait.ge [sflag:s6], $0x4000  }
0x39: {  	[sflag:s6] =	ssyncset.done $0x0  }
0x3a: {  	[sflag:s6] =	ssyncadd.s32 $0xFFFFC000  }
0x3b: {  	[spmem:s1] =	stream.indirect.scatter.add.f32 [tilespmem:s12], [sflag:$0x4], $0x80, s4, s10, $0xb8;
	[tilespmem:$0xAA00] =	vst v63  }
0x3c: {  	s29 =	sadd.s32 $0xFFFFFFFF, s29;
	_ =	swait.ge [sflag:s6], $0x2000  }
0x3d: {  	p3 =	sne.s32 s29, $0x0;
	[sflag:s6] =	ssyncset.done $0x0  }
.Ltmp1:
0x3e: {  	[sflag:s6] =	ssyncadd.s32 $0xFFFFE000;
	(pc) =	sbr.rel @!p3 .LBB2_3-.Ltmp1, $4  }
0x3f: {  	s30 =	simm.s32 @!p0 $0x1C04;
	s28 =	simm.s32 @!p0 $0x4;
	[bflag:$0x0] =	sbarrier.arrive $0xFFFF  }
0x40: {  	[hbm:s3], [sflag:s30] =	dma.local @!p0 [spmem:s8], $0x1000  }
0x41: {  	_ =	swait.ge @!p0 [sflag:s28], $0x1000  }
0x42: {  	p2 =	por $0x1, $0x1;
	[sflag:s28] =	ssyncset.done @!p0 $0x0  }
.LBB2_2:
0x43: {  	s29 =	sadd.s32 $0xFFFFFFFF, s29;
	[sflag:s28] =	ssyncadd.s32 @!p0 $0xFFFFF000  }
0x44: {  	[tilespmem:s23], [sflag:$0x1] =	stream.linear.gather @p1 [hbm4b:s19+s23], $0x2800, $0x38;
	[tilespmem:$0xAA00] =	vst v63  }
0x45: {  	p3 =	sne.s32 s29, $0x0  }
0x46: {  	[tilespmem:s24], [sflag:$0x1] =	stream.linear.gather @!p1 [hbm4b:s14+s24], $0xA000, $0x38;
	[tilespmem:$0xAA00] =	vst v63  }
0x47: {  	_ = 	snop  }
0x48: {  	[tilespmem:s7], [sflag:$0x2] =	stream.linear.gather [hbm4b:s15+s2], $0x80, $0x38;
	[tilespmem:$0xAA00] =	vst v63  }
0x49: {  	_ = 	snop  }
0x4a: {  	[tilespmem:s5], [sflag:$0x2] =	stream.linear.gather [hbm4b:s17+s2], $0x80, $0x38;
	[tilespmem:$0xAA00] =	vst v63  }
0x4b: {  	_ = 	snop  }
0x4c: {  	[tilespmem:s4], [sflag:$0x2] =	stream.linear.gather [hbm4b:s18+s2], $0x40, $0x38;
	[tilespmem:$0xAA00] =	vst v63  }
0x4d: {  	[spmem:s22], [sflag:s21] =	dma.local [hbm:s11], $0x100  }
0x4e: {  	_ =	swait.ge [sflag:s20], $0x80  }
0x4f: {  	[sflag:s20] =	ssyncset.done $0x0  }
0x50: {  	[sflag:s20] =	ssyncadd.s32 $0xFFFFFF80  }
0x51: {  	_ =	swait.ge [sflag:s20], $0x80  }
0x52: {  	[sflag:s20] =	ssyncset.done $0x0  }
0x53: {  	[sflag:s20] =	ssyncadd.s32 $0xFFFFFF80  }
0x54: {  	_ =	swait.ge [sflag:s20], $0x40  }
0x55: {  	[sflag:s20] =	ssyncset.done $0x0  }
0x56: {  	[sflag:s20] =	ssyncadd.s32 $0xFFFFFFC0  }
0x57: {  	_ =	swait.ge [sflag:s16], $0x100  }
0x58: {  	[sflag:s16] =	ssyncset.done $0x0  }
0x59: {  	[sflag:s16] =	ssyncadd.s32 $0xFFFFFF00  }
0x5a: {  	[bflag:$0x0] =	sbarrier.arrive $0xFFFF  }
0x5b: {  	_ =	swait.ge @p1 [sflag:s25], $0x2800  }
0x5c: {  	[sflag:s25] =	ssyncset.done @p1 $0x0  }
0x5d: {  	[sflag:s25] =	ssyncadd.s32 @p1 $0xFFFFD800  }
0x5e: {  	_ =	swait.ge @!p1 [sflag:s26], $0xA000  }
0x5f: {  	[sflag:s26] =	ssyncset.done @!p1 $0x0  }
0x60: {  	[sflag:s26] =	ssyncadd.s32 @!p1 $0xFFFF6000  }
0x61: {  	[spmem:s1] =	stream.indirect.scatter.add.f32 [tilespmem:s2], [sflag:$0x4], $0x80, s7, s9, $0xb8;
	[tilespmem:$0xAA00] =	vst v63  }
0x62: {  	_ =	swait.ge [sflag:s6], $0x4000  }
0x63: {  	[sflag:s6] =	ssyncset.done $0x0  }
0x64: {  	[sflag:s6] =	ssyncadd.s32 $0xFFFFC000  }
0x65: {  	[spmem:s1] =	stream.indirect.scatter.add.f32 [tilespmem:s13], [sflag:$0x4], $0x80, s5, s9, $0xb8;
	[tilespmem:$0xAA00] =	vst v63  }
0x66: {  	_ =	swait.ge [sflag:s6], $0x4000  }
0x67: {  	[sflag:s6] =	ssyncset.done $0x0  }
0x68: {  	[sflag:s6] =	ssyncadd.s32 $0xFFFFC000  }
0x69: {  	[spmem:s1] =	stream.indirect.scatter.add.f32 [tilespmem:s12], [sflag:$0x4], $0x80, s4, s10, $0xb8;
	[tilespmem:$0xAA00] =	vst v63  }
0x6a: {  	_ =	swait.ge [sflag:s6], $0x2000  }
0x6b: {  	[sflag:s6] =	ssyncset.done $0x0  }
.Ltmp2:
0x6c: {  	[sflag:s6] =	ssyncadd.s32 $0xFFFFE000;
	(pc) =	sbr.rel @p3 .LBB2_2-.Ltmp2, $4  }
0x6d: {  	[bflag:$0x0] =	sbarrier.arrive $0xFFFF  }
0x6e: {  	[hbm:s3], [sflag:s30] =	dma.local @!p0 [spmem:s8], $0x1000  }
0x6f: {  	_ =	swait.ge @!p0 [sflag:s28], $0x1000  }
0x70: {  	[sflag:s28] =	ssyncset.done @!p0 $0x0  }
.LBB2_3:
0x71: {  	p2 =	por p0, !p2  }
0x72: {  	s23 =	simm.s32 @p1 $0x0;
	[sflag:s28] =	ssyncadd.s32 @!p2 $0xFFFFF000  }
0x73: {  	[tilespmem:s23], [sflag:$0x1] =	stream.linear.gather @p1 [hbm4b:s19+s23], $0x2800, $0x38;
	[tilespmem:$0xAA00] =	vst v63  }
0x74: {  	s19 =	simm.s32 @!p1 $0x0  }
0x75: {  	[tilespmem:s19], [sflag:$0x1] =	stream.linear.gather @!p1 [hbm4b:s14+s19], $0xA000, $0x38;
	[tilespmem:$0xAA00] =	vst v63  }
0x76: {  	_ = 	snop  }
0x77: {  	[tilespmem:s7], [sflag:$0x2] =	stream.linear.gather [hbm4b:s15+s2], $0x80, $0x38;
	[tilespmem:$0xAA00] =	vst v63  }
0x78: {  	_ = 	snop  }
0x79: {  	[tilespmem:s5], [sflag:$0x2] =	stream.linear.gather [hbm4b:s17+s2], $0x80, $0x38;
	[tilespmem:$0xAA00] =	vst v63  }
0x7a: {  	_ = 	snop  }
0x7b: {  	[tilespmem:s4], [sflag:$0x2] =	stream.linear.gather [hbm4b:s18+s2], $0x40, $0x38;
	[tilespmem:$0xAA00] =	vst v63  }
0x7c: {  	[spmem:s22], [sflag:s21] =	dma.local [hbm:s11], $0x100  }
0x7d: {  	_ =	swait.ge [sflag:s20], $0x80  }
0x7e: {  	[sflag:s20] =	ssyncset.done $0x0  }
0x7f: {  	[sflag:s20] =	ssyncadd.s32 $0xFFFFFF80  }
0x80: {  	_ =	swait.ge [sflag:s20], $0x80  }
0x81: {  	[sflag:s20] =	ssyncset.done $0x0  }
0x82: {  	[sflag:s20] =	ssyncadd.s32 $0xFFFFFF80  }
0x83: {  	_ =	swait.ge [sflag:s20], $0x40  }
0x84: {  	[sflag:s20] =	ssyncset.done $0x0  }
0x85: {  	[sflag:s20] =	ssyncadd.s32 $0xFFFFFFC0  }
0x86: {  	_ =	swait.ge [sflag:s16], $0x100  }
0x87: {  	[sflag:s16] =	ssyncset.done $0x0  }
0x88: {  	[sflag:s16] =	ssyncadd.s32 $0xFFFFFF00  }
0x89: {  	s11 =	simm.s32 @p1 $0x1;
	[bflag:$0x0] =	sbarrier.arrive $0xFFFF  }
0x8a: {  	_ =	swait.ge @p1 [sflag:s11], $0x2800  }
0x8b: {  	[sflag:s11] =	ssyncset.done @p1 $0x0  }
0x8c: {  	[sflag:s11] =	ssyncadd.s32 @p1 $0xFFFFD800;
	s11 =	simm.s32 @!p1 $0x1  }
0x8d: {  	_ =	swait.ge @!p1 [sflag:s11], $0xA000  }
0x8e: {  	[sflag:s11] =	ssyncset.done @!p1 $0x0  }
0x8f: {  	[sflag:s11] =	ssyncadd.s32 @!p1 $0xFFFF6000  }
0x90: {  	[spmem:s1] =	stream.indirect.scatter.add.f32 [tilespmem:s2], [sflag:$0x4], $0x80, s7, s9, $0xb8;
	[tilespmem:$0xAA00] =	vst v63  }
0x91: {  	_ =	swait.ge [sflag:s6], $0x4000  }
0x92: {  	[sflag:s6] =	ssyncset.done $0x0  }
0x93: {  	[sflag:s6] =	ssyncadd.s32 $0xFFFFC000  }
0x94: {  	[spmem:s1] =	stream.indirect.scatter.add.f32 [tilespmem:s13], [sflag:$0x4], $0x80, s5, s9, $0xb8;
	[tilespmem:$0xAA00] =	vst v63  }
0x95: {  	_ =	swait.ge [sflag:s6], $0x4000  }
0x96: {  	[sflag:s6] =	ssyncset.done $0x0  }
0x97: {  	[sflag:s6] =	ssyncadd.s32 $0xFFFFC000  }
0x98: {  	[spmem:s1] =	stream.indirect.scatter.add.f32 [tilespmem:s12], [sflag:$0x4], $0x80, s4, s10, $0xb8;
	[tilespmem:$0xAA00] =	vst v63  }
0x99: {  	_ =	swait.ge [sflag:s6], $0x2000  }
0x9a: {  	[sflag:s6] =	ssyncset.done $0x0  }
0x9b: {  	[sflag:s6] =	ssyncadd.s32 $0xFFFFE000  }
0x9c: {  	s2 =	simm.s32 @!p0 $0x4;
	s1 =	simm.s32 @!p0 $0x1C04;
	[bflag:$0x0] =	sbarrier.arrive $0xFFFF  }
0x9d: {  	[hbm:s3], [sflag:s1] =	dma.local @!p0 [spmem:s8], $0x1000  }
0x9e: {  	_ =	swait.ge @!p0 [sflag:s2], $0x1000  }
0x9f: {  	[sflag:s2] =	ssyncset.done @!p0 $0x0  }
0xa0: {  	[sflag:s2] =	ssyncadd.s32 @!p0 $0xFFFFF000  }
0xa1: {  	_ =	sfence.sel $0x180000  }
0xa2: {  	[bflag:$0x0] =	sbarrier.arrive $0xFFFF  }
0xa3: {  	_ =	strace $0x90000047  }
0xa4: {  	s0 =	sadd.s32 @!p0 $0x100000, s0;
	[bflag:$0x2] =	sbarrier.arrive $0xFFFF  }
0xa5: {  	[sflag:s0] =	ssyncadd.tile.s32 @!p0 $0x1;
	_ =	shalt  }
.Lfunc_end2:
_tile_overlayer_lowered:
.L_overlay_start_2:
0xa6: {  	(tag) =	ssettag $0x2  }
0xa7: {  	s0 =	rddreg [dreg:$0x0];
	s2 =	stileid.u32  }
0xa8: {  	s1 =	rddreg [dreg:$0x1];
	p0 =	sne.s32 s2, $0x0  }
0xa9: {  	s3 =	rddreg [dreg:$0x2];
	[bflag:$0x3] =	sbarrier.arrive $0xFFFF;
	s2 =	simm.s32 @!p0 $0x1C04  }
0xaa: {  	[timem:s3], [sflag:s2] =	dma.local @!p0 [hbm:s0], s1  }
0xab: {  	s0 =	simm.s32 @!p0 $0x4  }
0xac: {  	_ =	swait.ge @!p0 [sflag:s0], s1  }
0xad: {  	s1 =	ssub.s32 @!p0 $0x0, s1;
	[sflag:s0] =	ssyncset.done @!p0 $0x0  }
0xae: {  	[sflag:s0] =	ssyncadd.s32 @!p0 s1  }
0xaf: {  	[bflag:$0x3] =	sbarrier.arrive $0xFFFF  }
0xb0: {  	_ =	shalt  }

</sc_bundles>
